<compile_context>
chip_gen: v7x
topology: tpu7x:2x2x1
jax: 0.10.2.dev20260603
libtpu: 0.0.44.dev20260713+nightly
codegen_flags: <defaults>
</compile_context>

<pallas_src>
import functools

import jax
import jax.numpy as jnp
from jax import lax
from jax.experimental import pallas as pl
from jax.experimental.pallas import tpu as pltpu
from jax.experimental.pallas import tpu_sc as plsc

N_VOCAB = 100000
N_EMBED = 128
BATCH = 16384

NC = 2
NS = 16
NW = NC * NS
B_PER_W = BATCH // NW
CHUNK = 128
C = B_PER_W // CHUNK
NBUF = 7

_mesh = plsc.VectorSubcoreMesh(core_axis_name="c", subcore_axis_name="s")


@functools.partial(
    pl.kernel,
    mesh=_mesh,
    out_type=(
        jax.ShapeDtypeStruct((BATCH, N_EMBED), jnp.float32),
        jax.ShapeDtypeStruct((BATCH, N_EMBED), jnp.float32),
    ),
    scratch_types=[
        pltpu.VMEM((C, CHUNK), jnp.int32),
        pltpu.VMEM((C, CHUNK), jnp.int32),
        pltpu.VMEM((NBUF, CHUNK, N_EMBED), jnp.float32),
        pltpu.SemaphoreType.DMA,
        pltpu.SemaphoreType.DMA,
    ]
    + [pltpu.SemaphoreType.DMA] * (2 * NBUF),
)
def _gather2(iw_hbm, ow_hbm, in_embed, out_embed, o1_hbm, o2_hbm,
             idx1, idx2, rows, si1, si2, *sems):
    wid = lax.axis_index("s") * NC + lax.axis_index("c")
    gs = sems[:NBUF]
    ws = sems[NBUF:]
    idxs = (idx1, idx2)
    tables = (in_embed, out_embed)
    outs = (o1_hbm, o2_hbm)

    c1 = pltpu.async_copy(iw_hbm.at[wid], idx1, si1)
    c2 = pltpu.async_copy(ow_hbm.at[wid], idx2, si2)

    total = 2 * C
    gd = []
    wd = []

    def fire(k):
        t, j = divmod(k, C)
        if k == 0:
            c1.wait()
        if k == C:
            c2.wait()
        gd.append(
            pltpu.async_copy(tables[t].at[idxs[t].at[j]], rows.at[k % NBUF],
                             gs[k % NBUF]))

    for k in range(NBUF):
        fire(k)
    for k in range(total):
        t, j = divmod(k, C)
        gd[k].wait()
        base = wid * B_PER_W + j * CHUNK
        wd.append(
            pltpu.async_copy(rows.at[k % NBUF], outs[t].at[pl.ds(base, CHUNK)],
                             ws[k % NBUF]))
        if k + NBUF < total:
            wd[k].wait()
            fire(k + NBUF)
    for k in range(max(0, total - NBUF), total):
        wd[k].wait()


def kernel(input_words, output_words, in_embed, out_embed):
    iw = input_words.astype(jnp.int32).reshape(NW, C, CHUNK)
    ow = output_words.astype(jnp.int32).reshape(NW, C, CHUNK)
    return _gather2(iw, ow, in_embed, out_embed)

# --- scband reference (transcript-rebuilt; emitter-appended) ---
"""Pipeline reference for scband-skip-gram-neg-3710851743747 (READ-ONLY COPY).

The authoritative reference and input builder live on the scoring server;
editing this copy changes nothing except your own understanding.
"""

import jax, jax.numpy as jnp
import numpy as np

N_VOCAB = 100000
N_EMBED = 128
BATCH = 16384

def setup_inputs(seed: int = 0) -> dict:
    key = jax.random.key(seed)
    k1, k2, k3, k4 = jax.random.split(key, 4)
    input_words = jax.random.randint(k1, (BATCH,), 0, N_VOCAB, dtype=jnp.int64 if jax.config.jax_enable_x64 else jnp.int32)
    output_words = jax.random.randint(k2, (BATCH,), 0, N_VOCAB, dtype=jnp.int64 if jax.config.jax_enable_x64 else jnp.int32)
    # embedding weights initialized uniform(-1, 1) as in the torch module
    in_embed = jax.random.uniform(k3, (N_VOCAB, N_EMBED), dtype=jnp.float32, minval=-1.0, maxval=1.0)
    out_embed = jax.random.uniform(k4, (N_VOCAB, N_EMBED), dtype=jnp.float32, minval=-1.0, maxval=1.0)
    return {"input_words": input_words, "output_words": output_words, "in_embed": in_embed, "out_embed": out_embed}

def reference(input_words, output_words, in_embed, out_embed):
    # forward_input: center word vectors via in_embed lookup
    input_vectors = jnp.take(in_embed, input_words, axis=0)
    # forward_output: context word vectors via out_embed lookup
    output_vectors = jnp.take(out_embed, output_words, axis=0)
    return (input_vectors, output_vectors)

if __name__ == "__main__":
    import jax
    _d = setup_inputs()
    print(jax.jit(kernel)(*tuple(_d.values())))

</pallas_src>

<mosaic_0001>
#map = affine_map<(d0, d1) -> (0, 0, 0)>
#map1 = affine_map<(d0, d1) -> (0, 0)>
module attributes {stable_mosaic.version = 14 : i64} {
  func.func @_gather2(%arg0: i32, %arg1: i32, %arg2: memref<32x4x128xi32, #tpu.memory_space<hbm>>, %arg3: memref<32x4x128xi32, #tpu.memory_space<hbm>>, %arg4: memref<100000x128xf32, #tpu.memory_space<hbm>>, %arg5: memref<100000x128xf32, #tpu.memory_space<hbm>>, %arg6: memref<16384x128xf32, #tpu.memory_space<hbm>>, %arg7: memref<16384x128xf32, #tpu.memory_space<hbm>>, %arg8: memref<4x128xi32, #tpu.memory_space<vmem>>, %arg9: memref<4x128xi32, #tpu.memory_space<vmem>>, %arg10: memref<7x128x128xf32, #tpu.memory_space<vmem>>, %arg11: memref<!tpu.dma_semaphore, #tpu.memory_space<semaphore_mem>>, %arg12: memref<!tpu.dma_semaphore, #tpu.memory_space<semaphore_mem>>, %arg13: memref<!tpu.dma_semaphore, #tpu.memory_space<semaphore_mem>>, %arg14: memref<!tpu.dma_semaphore, #tpu.memory_space<semaphore_mem>>, %arg15: memref<!tpu.dma_semaphore, #tpu.memory_space<semaphore_mem>>, %arg16: memref<!tpu.dma_semaphore, #tpu.memory_space<semaphore_mem>>, %arg17: memref<!tpu.dma_semaphore, #tpu.memory_space<semaphore_mem>>, %arg18: memref<!tpu.dma_semaphore, #tpu.memory_space<semaphore_mem>>, %arg19: memref<!tpu.dma_semaphore, #tpu.memory_space<semaphore_mem>>, %arg20: memref<!tpu.dma_semaphore, #tpu.memory_space<semaphore_mem>>, %arg21: memref<!tpu.dma_semaphore, #tpu.memory_space<semaphore_mem>>, %arg22: memref<!tpu.dma_semaphore, #tpu.memory_space<semaphore_mem>>, %arg23: memref<!tpu.dma_semaphore, #tpu.memory_space<semaphore_mem>>, %arg24: memref<!tpu.dma_semaphore, #tpu.memory_space<semaphore_mem>>, %arg25: memref<!tpu.dma_semaphore, #tpu.memory_space<semaphore_mem>>, %arg26: memref<!tpu.dma_semaphore, #tpu.memory_space<semaphore_mem>>) attributes {dimension_semantics = [#tpu.dimension_semantics<core_parallel>, #tpu.dimension_semantics<subcore_parallel>], iteration_bounds = array<i64: 2, 16>, scalar_prefetch = 0 : i64, scratch_operands = 19 : i64, tpu.core_type = #tpu.core_type<sc_vector_subcore>, window_params = [{transform_indices = #map}, {transform_indices = #map}, {transform_indices = #map1}, {transform_indices = #map1}, {transform_indices = #map1}, {transform_indices = #map1}]} {
    %mul3A = arith.constant 2 : i32
    %mul3A_0 = arith.muli %arg1, %mul3A : i32
    %add3A = arith.addi %mul3A_0, %arg0 : i32
    %dma_start3A = arith.constant 0 : i32
    %dma_start3A_1 = arith.constant 0 : i32
    %dma_start3A_2 = tpu.memref_slice %arg2[%add3A, %dma_start3A, %dma_start3A_1] : memref<32x4x128xi32, #tpu.memory_space<hbm>> -> memref<1x4x128xi32, #tpu.memory_space<hbm>>
    %dma_start3A_3 = tpu.memref_squeeze %dma_start3A_2 : memref<1x4x128xi32, #tpu.memory_space<hbm>> -> memref<4x128xi32, #tpu.memory_space<hbm>>
    %dma_start3A_4 = arith.constant 0 : i32
    %dma_start3A_5 = arith.constant 0 : i32
    %dma_start3A_6 = tpu.memref_slice %arg2[%add3A, %dma_start3A_4, %dma_start3A_5] : memref<32x4x128xi32, #tpu.memory_space<hbm>> -> memref<1x4x128xi32, #tpu.memory_space<hbm>>
    %dma_start3A_7 = tpu.memref_squeeze %dma_start3A_6 : memref<1x4x128xi32, #tpu.memory_space<hbm>> -> memref<4x128xi32, #tpu.memory_space<hbm>>
    tpu.enqueue_dma source(%dma_start3A_7 : memref<4x128xi32, #tpu.memory_space<hbm>>) target(%arg8 : memref<4x128xi32, #tpu.memory_space<vmem>>) target_semaphore(%arg11 : memref<!tpu.dma_semaphore, #tpu.memory_space<semaphore_mem>>)
    %dma_start3A_8 = arith.constant 0 : i32
    %dma_start3A_9 = arith.constant 0 : i32
    %dma_start3A_10 = tpu.memref_slice %arg3[%add3A, %dma_start3A_8, %dma_start3A_9] : memref<32x4x128xi32, #tpu.memory_space<hbm>> -> memref<1x4x128xi32, #tpu.memory_space<hbm>>
    %dma_start3A_11 = tpu.memref_squeeze %dma_start3A_10 : memref<1x4x128xi32, #tpu.memory_space<hbm>> -> memref<4x128xi32, #tpu.memory_space<hbm>>
    %dma_start3A_12 = arith.constant 0 : i32
    %dma_start3A_13 = arith.constant 0 : i32
    %dma_start3A_14 = tpu.memref_slice %arg3[%add3A, %dma_start3A_12, %dma_start3A_13] : memref<32x4x128xi32, #tpu.memory_space<hbm>> -> memref<1x4x128xi32, #tpu.memory_space<hbm>>
    %dma_start3A_15 = tpu.memref_squeeze %dma_start3A_14 : memref<1x4x128xi32, #tpu.memory_space<hbm>> -> memref<4x128xi32, #tpu.memory_space<hbm>>
    tpu.enqueue_dma source(%dma_start3A_15 : memref<4x128xi32, #tpu.memory_space<hbm>>) target(%arg9 : memref<4x128xi32, #tpu.memory_space<vmem>>) target_semaphore(%arg12 : memref<!tpu.dma_semaphore, #tpu.memory_space<semaphore_mem>>)
    %dma_wait3A = arith.constant 0 : i32
    %dma_wait3A_16 = arith.constant 0 : i32
    %dma_wait3A_17 = tpu.memref_slice %arg2[%add3A, %dma_wait3A, %dma_wait3A_16] : memref<32x4x128xi32, #tpu.memory_space<hbm>> -> memref<1x4x128xi32, #tpu.memory_space<hbm>>
    %dma_wait3A_18 = tpu.memref_squeeze %dma_wait3A_17 : memref<1x4x128xi32, #tpu.memory_space<hbm>> -> memref<4x128xi32, #tpu.memory_space<hbm>>
    %dma_wait3A_19 = arith.constant 0 : i32
    %dma_wait3A_20 = arith.constant 0 : i32
    %dma_wait3A_21 = tpu.memref_slice %arg2[%add3A, %dma_wait3A_19, %dma_wait3A_20] : memref<32x4x128xi32, #tpu.memory_space<hbm>> -> memref<1x4x128xi32, #tpu.memory_space<hbm>>
    %dma_wait3A_22 = tpu.memref_squeeze %dma_wait3A_21 : memref<1x4x128xi32, #tpu.memory_space<hbm>> -> memref<4x128xi32, #tpu.memory_space<hbm>>
    tpu.wait_dma2 semaphore(%arg11 : memref<!tpu.dma_semaphore, #tpu.memory_space<semaphore_mem>>) src(%dma_wait3A_22 : memref<4x128xi32, #tpu.memory_space<hbm>>) dst(%arg8 : memref<4x128xi32, #tpu.memory_space<vmem>>)
    %dma_start3A_23 = arith.constant 0 : i32
    %dma_start3A_24 = arith.constant 0 : i32
    %dma_start3A_25 = arith.constant 0 : i32
    %dma_start3A_26 = arith.constant 0 : i32
    %dma_start3A_27 = tpu.memref_slice %arg10[%dma_start3A_24, %dma_start3A_25, %dma_start3A_26] : memref<7x128x128xf32, #tpu.memory_space<vmem>> -> memref<1x128x128xf32, #tpu.memory_space<vmem>>
    %dma_start3A_28 = tpu.memref_squeeze %dma_start3A_27 : memref<1x128x128xf32, #tpu.memory_space<vmem>> -> memref<128x128xf32, #tpu.memory_space<vmem>>
    %dma_start3A_29 = arith.constant 0 : i32
    %dma_start3A_30 = tpu.memref_slice %arg8[%dma_start3A_23, %dma_start3A_29] : memref<4x128xi32, #tpu.memory_space<vmem>> -> memref<1x128xi32, #tpu.memory_space<vmem>>
    %dma_start3A_31 = tpu.memref_squeeze %dma_start3A_30 : memref<1x128xi32, #tpu.memory_space<vmem>> -> memref<128xi32, #tpu.memory_space<vmem>>
    %dma_start3A_32 = arith.constant 0 : i32
    %dma_start3A_33 = arith.constant 0 : i32
    %dma_start3A_34 = tpu.memref_slice %arg4[%dma_start3A_32, %dma_start3A_33] : memref<100000x128xf32, #tpu.memory_space<hbm>> -> memref<100000x128xf32, #tpu.memory_space<hbm>>
    tpu.enqueue_indirect_dma source(%dma_start3A_34 : memref<100000x128xf32, #tpu.memory_space<hbm>>) target(%dma_start3A_28 : memref<128x128xf32, #tpu.memory_space<vmem>>) offsets(%dma_start3A_31 : memref<128xi32, #tpu.memory_space<vmem>>) semaphore(%arg13 : memref<!tpu.dma_semaphore, #tpu.memory_space<semaphore_mem>>)
    %dma_start3A_35 = arith.constant 1 : i32
    %dma_start3A_36 = arith.constant 1 : i32
    %dma_start3A_37 = arith.constant 0 : i32
    %dma_start3A_38 = arith.constant 0 : i32
    %dma_start3A_39 = tpu.memref_slice %arg10[%dma_start3A_36, %dma_start3A_37, %dma_start3A_38] : memref<7x128x128xf32, #tpu.memory_space<vmem>> -> memref<1x128x128xf32, #tpu.memory_space<vmem>>
    %dma_start3A_40 = tpu.memref_squeeze %dma_start3A_39 : memref<1x128x128xf32, #tpu.memory_space<vmem>> -> memref<128x128xf32, #tpu.memory_space<vmem>>
    %dma_start3A_41 = arith.constant 0 : i32
    %dma_start3A_42 = tpu.memref_slice %arg8[%dma_start3A_35, %dma_start3A_41] : memref<4x128xi32, #tpu.memory_space<vmem>> -> memref<1x128xi32, #tpu.memory_space<vmem>>
    %dma_start3A_43 = tpu.memref_squeeze %dma_start3A_42 : memref<1x128xi32, #tpu.memory_space<vmem>> -> memref<128xi32, #tpu.memory_space<vmem>>
    %dma_start3A_44 = arith.constant 0 : i32
    %dma_start3A_45 = arith.constant 0 : i32
    %dma_start3A_46 = tpu.memref_slice %arg4[%dma_start3A_44, %dma_start3A_45] : memref<100000x128xf32, #tpu.memory_space<hbm>> -> memref<100000x128xf32, #tpu.memory_space<hbm>>
    tpu.enqueue_indirect_dma source(%dma_start3A_46 : memref<100000x128xf32, #tpu.memory_space<hbm>>) target(%dma_start3A_40 : memref<128x128xf32, #tpu.memory_space<vmem>>) offsets(%dma_start3A_43 : memref<128xi32, #tpu.memory_space<vmem>>) semaphore(%arg14 : memref<!tpu.dma_semaphore, #tpu.memory_space<semaphore_mem>>)
    %dma_start3A_47 = arith.constant 2 : i32
    %dma_start3A_48 = arith.constant 2 : i32
    %dma_start3A_49 = arith.constant 0 : i32
    %dma_start3A_50 = arith.constant 0 : i32
    %dma_start3A_51 = tpu.memref_slice %arg10[%dma_start3A_48, %dma_start3A_49, %dma_start3A_50] : memref<7x128x128xf32, #tpu.memory_space<vmem>> -> memref<1x128x128xf32, #tpu.memory_space<vmem>>
    %dma_start3A_52 = tpu.memref_squeeze %dma_start3A_51 : memref<1x128x128xf32, #tpu.memory_space<vmem>> -> memref<128x128xf32, #tpu.memory_space<vmem>>
    %dma_start3A_53 = arith.constant 0 : i32
    %dma_start3A_54 = tpu.memref_slice %arg8[%dma_start3A_47, %dma_start3A_53] : memref<4x128xi32, #tpu.memory_space<vmem>> -> memref<1x128xi32, #tpu.memory_space<vmem>>
    %dma_start3A_55 = tpu.memref_squeeze %dma_start3A_54 : memref<1x128xi32, #tpu.memory_space<vmem>> -> memref<128xi32, #tpu.memory_space<vmem>>
    %dma_start3A_56 = arith.constant 0 : i32
    %dma_start3A_57 = arith.constant 0 : i32
    %dma_start3A_58 = tpu.memref_slice %arg4[%dma_start3A_56, %dma_start3A_57] : memref<100000x128xf32, #tpu.memory_space<hbm>> -> memref<100000x128xf32, #tpu.memory_space<hbm>>
    tpu.enqueue_indirect_dma source(%dma_start3A_58 : memref<100000x128xf32, #tpu.memory_space<hbm>>) target(%dma_start3A_52 : memref<128x128xf32, #tpu.memory_space<vmem>>) offsets(%dma_start3A_55 : memref<128xi32, #tpu.memory_space<vmem>>) semaphore(%arg15 : memref<!tpu.dma_semaphore, #tpu.memory_space<semaphore_mem>>)
    %dma_start3A_59 = arith.constant 3 : i32
    %dma_start3A_60 = arith.constant 3 : i32
    %dma_start3A_61 = arith.constant 0 : i32
    %dma_start3A_62 = arith.constant 0 : i32
    %dma_start3A_63 = tpu.memref_slice %arg10[%dma_start3A_60, %dma_start3A_61, %dma_start3A_62] : memref<7x128x128xf32, #tpu.memory_space<vmem>> -> memref<1x128x128xf32, #tpu.memory_space<vmem>>
    %dma_start3A_64 = tpu.memref_squeeze %dma_start3A_63 : memref<1x128x128xf32, #tpu.memory_space<vmem>> -> memref<128x128xf32, #tpu.memory_space<vmem>>
    %dma_start3A_65 = arith.constant 0 : i32
    %dma_start3A_66 = tpu.memref_slice %arg8[%dma_start3A_59, %dma_start3A_65] : memref<4x128xi32, #tpu.memory_space<vmem>> -> memref<1x128xi32, #tpu.memory_space<vmem>>
    %dma_start3A_67 = tpu.memref_squeeze %dma_start3A_66 : memref<1x128xi32, #tpu.memory_space<vmem>> -> memref<128xi32, #tpu.memory_space<vmem>>
    %dma_start3A_68 = arith.constant 0 : i32
    %dma_start3A_69 = arith.constant 0 : i32
    %dma_start3A_70 = tpu.memref_slice %arg4[%dma_start3A_68, %dma_start3A_69] : memref<100000x128xf32, #tpu.memory_space<hbm>> -> memref<100000x128xf32, #tpu.memory_space<hbm>>
    tpu.enqueue_indirect_dma source(%dma_start3A_70 : memref<100000x128xf32, #tpu.memory_space<hbm>>) target(%dma_start3A_64 : memref<128x128xf32, #tpu.memory_space<vmem>>) offsets(%dma_start3A_67 : memref<128xi32, #tpu.memory_space<vmem>>) semaphore(%arg16 : memref<!tpu.dma_semaphore, #tpu.memory_space<semaphore_mem>>)
    %dma_wait3A_71 = arith.constant 0 : i32
    %dma_wait3A_72 = arith.constant 0 : i32
    %dma_wait3A_73 = tpu.memref_slice %arg3[%add3A, %dma_wait3A_71, %dma_wait3A_72] : memref<32x4x128xi32, #tpu.memory_space<hbm>> -> memref<1x4x128xi32, #tpu.memory_space<hbm>>
    %dma_wait3A_74 = tpu.memref_squeeze %dma_wait3A_73 : memref<1x4x128xi32, #tpu.memory_space<hbm>> -> memref<4x128xi32, #tpu.memory_space<hbm>>
    %dma_wait3A_75 = arith.constant 0 : i32
    %dma_wait3A_76 = arith.constant 0 : i32
    %dma_wait3A_77 = tpu.memref_slice %arg3[%add3A, %dma_wait3A_75, %dma_wait3A_76] : memref<32x4x128xi32, #tpu.memory_space<hbm>> -> memref<1x4x128xi32, #tpu.memory_space<hbm>>
    %dma_wait3A_78 = tpu.memref_squeeze %dma_wait3A_77 : memref<1x4x128xi32, #tpu.memory_space<hbm>> -> memref<4x128xi32, #tpu.memory_space<hbm>>
    tpu.wait_dma2 semaphore(%arg12 : memref<!tpu.dma_semaphore, #tpu.memory_space<semaphore_mem>>) src(%dma_wait3A_78 : memref<4x128xi32, #tpu.memory_space<hbm>>) dst(%arg9 : memref<4x128xi32, #tpu.memory_space<vmem>>)
    %dma_start3A_79 = arith.constant 0 : i32
    %dma_start3A_80 = arith.constant 4 : i32
    %dma_start3A_81 = arith.constant 0 : i32
    %dma_start3A_82 = arith.constant 0 : i32
    %dma_start3A_83 = tpu.memref_slice %arg10[%dma_start3A_80, %dma_start3A_81, %dma_start3A_82] : memref<7x128x128xf32, #tpu.memory_space<vmem>> -> memref<1x128x128xf32, #tpu.memory_space<vmem>>
    %dma_start3A_84 = tpu.memref_squeeze %dma_start3A_83 : memref<1x128x128xf32, #tpu.memory_space<vmem>> -> memref<128x128xf32, #tpu.memory_space<vmem>>
    %dma_start3A_85 = arith.constant 0 : i32
    %dma_start3A_86 = tpu.memref_slice %arg9[%dma_start3A_79, %dma_start3A_85] : memref<4x128xi32, #tpu.memory_space<vmem>> -> memref<1x128xi32, #tpu.memory_space<vmem>>
    %dma_start3A_87 = tpu.memref_squeeze %dma_start3A_86 : memref<1x128xi32, #tpu.memory_space<vmem>> -> memref<128xi32, #tpu.memory_space<vmem>>
    %dma_start3A_88 = arith.constant 0 : i32
    %dma_start3A_89 = arith.constant 0 : i32
    %dma_start3A_90 = tpu.memref_slice %arg5[%dma_start3A_88, %dma_start3A_89] : memref<100000x128xf32, #tpu.memory_space<hbm>> -> memref<100000x128xf32, #tpu.memory_space<hbm>>
    tpu.enqueue_indirect_dma source(%dma_start3A_90 : memref<100000x128xf32, #tpu.memory_space<hbm>>) target(%dma_start3A_84 : memref<128x128xf32, #tpu.memory_space<vmem>>) offsets(%dma_start3A_87 : memref<128xi32, #tpu.memory_space<vmem>>) semaphore(%arg17 : memref<!tpu.dma_semaphore, #tpu.memory_space<semaphore_mem>>)
    %dma_start3A_91 = arith.constant 1 : i32
    %dma_start3A_92 = arith.constant 5 : i32
    %dma_start3A_93 = arith.constant 0 : i32
    %dma_start3A_94 = arith.constant 0 : i32
    %dma_start3A_95 = tpu.memref_slice %arg10[%dma_start3A_92, %dma_start3A_93, %dma_start3A_94] : memref<7x128x128xf32, #tpu.memory_space<vmem>> -> memref<1x128x128xf32, #tpu.memory_space<vmem>>
    %dma_start3A_96 = tpu.memref_squeeze %dma_start3A_95 : memref<1x128x128xf32, #tpu.memory_space<vmem>> -> memref<128x128xf32, #tpu.memory_space<vmem>>
    %dma_start3A_97 = arith.constant 0 : i32
    %dma_start3A_98 = tpu.memref_slice %arg9[%dma_start3A_91, %dma_start3A_97] : memref<4x128xi32, #tpu.memory_space<vmem>> -> memref<1x128xi32, #tpu.memory_space<vmem>>
    %dma_start3A_99 = tpu.memref_squeeze %dma_start3A_98 : memref<1x128xi32, #tpu.memory_space<vmem>> -> memref<128xi32, #tpu.memory_space<vmem>>
    %dma_start3A_100 = arith.constant 0 : i32
    %dma_start3A_101 = arith.constant 0 : i32
    %dma_start3A_102 = tpu.memref_slice %arg5[%dma_start3A_100, %dma_start3A_101] : memref<100000x128xf32, #tpu.memory_space<hbm>> -> memref<100000x128xf32, #tpu.memory_space<hbm>>
    tpu.enqueue_indirect_dma source(%dma_start3A_102 : memref<100000x128xf32, #tpu.memory_space<hbm>>) target(%dma_start3A_96 : memref<128x128xf32, #tpu.memory_space<vmem>>) offsets(%dma_start3A_99 : memref<128xi32, #tpu.memory_space<vmem>>) semaphore(%arg18 : memref<!tpu.dma_semaphore, #tpu.memory_space<semaphore_mem>>)
    %dma_start3A_103 = arith.constant 2 : i32
    %dma_start3A_104 = arith.constant 6 : i32
    %dma_start3A_105 = arith.constant 0 : i32
    %dma_start3A_106 = arith.constant 0 : i32
    %dma_start3A_107 = tpu.memref_slice %arg10[%dma_start3A_104, %dma_start3A_105, %dma_start3A_106] : memref<7x128x128xf32, #tpu.memory_space<vmem>> -> memref<1x128x128xf32, #tpu.memory_space<vmem>>
    %dma_start3A_108 = tpu.memref_squeeze %dma_start3A_107 : memref<1x128x128xf32, #tpu.memory_space<vmem>> -> memref<128x128xf32, #tpu.memory_space<vmem>>
    %dma_start3A_109 = arith.constant 0 : i32
    %dma_start3A_110 = tpu.memref_slice %arg9[%dma_start3A_103, %dma_start3A_109] : memref<4x128xi32, #tpu.memory_space<vmem>> -> memref<1x128xi32, #tpu.memory_space<vmem>>
    %dma_start3A_111 = tpu.memref_squeeze %dma_start3A_110 : memref<1x128xi32, #tpu.memory_space<vmem>> -> memref<128xi32, #tpu.memory_space<vmem>>
    %dma_start3A_112 = arith.constant 0 : i32
    %dma_start3A_113 = arith.constant 0 : i32
    %dma_start3A_114 = tpu.memref_slice %arg5[%dma_start3A_112, %dma_start3A_113] : memref<100000x128xf32, #tpu.memory_space<hbm>> -> memref<100000x128xf32, #tpu.memory_space<hbm>>
    tpu.enqueue_indirect_dma source(%dma_start3A_114 : memref<100000x128xf32, #tpu.memory_space<hbm>>) target(%dma_start3A_108 : memref<128x128xf32, #tpu.memory_space<vmem>>) offsets(%dma_start3A_111 : memref<128xi32, #tpu.memory_space<vmem>>) semaphore(%arg19 : memref<!tpu.dma_semaphore, #tpu.memory_space<semaphore_mem>>)
    %dma_wait3A_115 = arith.constant 0 : i32
    %dma_wait3A_116 = arith.constant 0 : i32
    %dma_wait3A_117 = arith.constant 0 : i32
    %dma_wait3A_118 = arith.constant 0 : i32
    %dma_wait3A_119 = tpu.memref_slice %arg10[%dma_wait3A_116, %dma_wait3A_117, %dma_wait3A_118] : memref<7x128x128xf32, #tpu.memory_space<vmem>> -> memref<1x128x128xf32, #tpu.memory_space<vmem>>
    %dma_wait3A_120 = tpu.memref_squeeze %dma_wait3A_119 : memref<1x128x128xf32, #tpu.memory_space<vmem>> -> memref<128x128xf32, #tpu.memory_space<vmem>>
    %dma_wait3A_121 = arith.constant 0 : i32
    %dma_wait3A_122 = tpu.memref_slice %arg8[%dma_wait3A_115, %dma_wait3A_121] : memref<4x128xi32, #tpu.memory_space<vmem>> -> memref<1x128xi32, #tpu.memory_space<vmem>>
    %dma_wait3A_123 = tpu.memref_squeeze %dma_wait3A_122 : memref<1x128xi32, #tpu.memory_space<vmem>> -> memref<128xi32, #tpu.memory_space<vmem>>
    %dma_wait3A_124 = arith.constant 0 : i32
    %dma_wait3A_125 = arith.constant 0 : i32
    %dma_wait3A_126 = tpu.memref_slice %arg4[%dma_wait3A_124, %dma_wait3A_125] : memref<100000x128xf32, #tpu.memory_space<hbm>> -> memref<100000x128xf32, #tpu.memory_space<hbm>>
    tpu.wait_indirect_dma semaphore(%arg13 : memref<!tpu.dma_semaphore, #tpu.memory_space<semaphore_mem>>) src(%dma_wait3A_126 : memref<100000x128xf32, #tpu.memory_space<hbm>>) dst(%dma_wait3A_120 : memref<128x128xf32, #tpu.memory_space<vmem>>)
    %mul3A_127 = arith.constant 512 : i32
    %mul3A_128 = arith.muli %add3A, %mul3A_127 : i32
    %add3A_129 = arith.constant 0 : i32
    %add3A_130 = arith.addi %mul3A_128, %add3A_129 : i32
    %dma_start3A_131 = arith.constant 0 : i32
    %dma_start3A_132 = arith.constant 0 : i32
    %dma_start3A_133 = arith.constant 0 : i32
    %dma_start3A_134 = tpu.memref_slice %arg10[%dma_start3A_131, %dma_start3A_132, %dma_start3A_133] : memref<7x128x128xf32, #tpu.memory_space<vmem>> -> memref<1x128x128xf32, #tpu.memory_space<vmem>>
    %dma_start3A_135 = tpu.memref_squeeze %dma_start3A_134 : memref<1x128x128xf32, #tpu.memory_space<vmem>> -> memref<128x128xf32, #tpu.memory_space<vmem>>
    %dma_start3A_136 = arith.constant 0 : i32
    %dma_start3A_137 = tpu.memref_slice %arg6[%add3A_130, %dma_start3A_136] : memref<16384x128xf32, #tpu.memory_space<hbm>> -> memref<128x128xf32, #tpu.memory_space<hbm>>
    %dma_start3A_138 = arith.constant 0 : i32
    %dma_start3A_139 = tpu.memref_slice %arg6[%add3A_130, %dma_start3A_138] : memref<16384x128xf32, #tpu.memory_space<hbm>> -> memref<128x128xf32, #tpu.memory_space<hbm>>
    %dma_start3A_140 = arith.constant 0 : i32
    %dma_start3A_141 = arith.constant 0 : i32
    %dma_start3A_142 = tpu.memref_slice %arg10[%dma_start3A_131, %dma_start3A_140, %dma_start3A_141] : memref<7x128x128xf32, #tpu.memory_space<vmem>> -> memref<1x128x128xf32, #tpu.memory_space<vmem>>
    %dma_start3A_143 = tpu.memref_squeeze %dma_start3A_142 : memref<1x128x128xf32, #tpu.memory_space<vmem>> -> memref<128x128xf32, #tpu.memory_space<vmem>>
    tpu.enqueue_dma source(%dma_start3A_143 : memref<128x128xf32, #tpu.memory_space<vmem>>) target(%dma_start3A_139 : memref<128x128xf32, #tpu.memory_space<hbm>>) target_semaphore(%arg20 : memref<!tpu.dma_semaphore, #tpu.memory_space<semaphore_mem>>)
    %dma_wait3A_144 = arith.constant 0 : i32
    %dma_wait3A_145 = arith.constant 0 : i32
    %dma_wait3A_146 = arith.constant 0 : i32
    %dma_wait3A_147 = tpu.memref_slice %arg10[%dma_wait3A_144, %dma_wait3A_145, %dma_wait3A_146] : memref<7x128x128xf32, #tpu.memory_space<vmem>> -> memref<1x128x128xf32, #tpu.memory_space<vmem>>
    %dma_wait3A_148 = tpu.memref_squeeze %dma_wait3A_147 : memref<1x128x128xf32, #tpu.memory_space<vmem>> -> memref<128x128xf32, #tpu.memory_space<vmem>>
    %dma_wait3A_149 = arith.constant 0 : i32
    %dma_wait3A_150 = tpu.memref_slice %arg6[%add3A_130, %dma_wait3A_149] : memref<16384x128xf32, #tpu.memory_space<hbm>> -> memref<128x128xf32, #tpu.memory_space<hbm>>
    %dma_wait3A_151 = arith.constant 0 : i32
    %dma_wait3A_152 = tpu.memref_slice %arg6[%add3A_130, %dma_wait3A_151] : memref<16384x128xf32, #tpu.memory_space<hbm>> -> memref<128x128xf32, #tpu.memory_space<hbm>>
    %dma_wait3A_153 = arith.constant 0 : i32
    %dma_wait3A_154 = arith.constant 0 : i32
    %dma_wait3A_155 = tpu.memref_slice %arg10[%dma_wait3A_144, %dma_wait3A_153, %dma_wait3A_154] : memref<7x128x128xf32, #tpu.memory_space<vmem>> -> memref<1x128x128xf32, #tpu.memory_space<vmem>>
    %dma_wait3A_156 = tpu.memref_squeeze %dma_wait3A_155 : memref<1x128x128xf32, #tpu.memory_space<vmem>> -> memref<128x128xf32, #tpu.memory_space<vmem>>
    tpu.wait_dma2 semaphore(%arg20 : memref<!tpu.dma_semaphore, #tpu.memory_space<semaphore_mem>>) src(%dma_wait3A_156 : memref<128x128xf32, #tpu.memory_space<vmem>>) dst(%dma_wait3A_152 : memref<128x128xf32, #tpu.memory_space<hbm>>)
    %dma_start3A_157 = arith.constant 3 : i32
    %dma_start3A_158 = arith.constant 0 : i32
    %dma_start3A_159 = arith.constant 0 : i32
    %dma_start3A_160 = arith.constant 0 : i32
    %dma_start3A_161 = tpu.memref_slice %arg10[%dma_start3A_158, %dma_start3A_159, %dma_start3A_160] : memref<7x128x128xf32, #tpu.memory_space<vmem>> -> memref<1x128x128xf32, #tpu.memory_space<vmem>>
    %dma_start3A_162 = tpu.memref_squeeze %dma_start3A_161 : memref<1x128x128xf32, #tpu.memory_space<vmem>> -> memref<128x128xf32, #tpu.memory_space<vmem>>
    %dma_start3A_163 = arith.constant 0 : i32
    %dma_start3A_164 = tpu.memref_slice %arg9[%dma_start3A_157, %dma_start3A_163] : memref<4x128xi32, #tpu.memory_space<vmem>> -> memref<1x128xi32, #tpu.memory_space<vmem>>
    %dma_start3A_165 = tpu.memref_squeeze %dma_start3A_164 : memref<1x128xi32, #tpu.memory_space<vmem>> -> memref<128xi32, #tpu.memory_space<vmem>>
    %dma_start3A_166 = arith.constant 0 : i32
    %dma_start3A_167 = arith.constant 0 : i32
    %dma_start3A_168 = tpu.memref_slice %arg5[%dma_start3A_166, %dma_start3A_167] : memref<100000x128xf32, #tpu.memory_space<hbm>> -> memref<100000x128xf32, #tpu.memory_space<hbm>>
    tpu.enqueue_indirect_dma source(%dma_start3A_168 : memref<100000x128xf32, #tpu.memory_space<hbm>>) target(%dma_start3A_162 : memref<128x128xf32, #tpu.memory_space<vmem>>) offsets(%dma_start3A_165 : memref<128xi32, #tpu.memory_space<vmem>>) semaphore(%arg13 : memref<!tpu.dma_semaphore, #tpu.memory_space<semaphore_mem>>)
    %dma_wait3A_169 = arith.constant 1 : i32
    %dma_wait3A_170 = arith.constant 1 : i32
    %dma_wait3A_171 = arith.constant 0 : i32
    %dma_wait3A_172 = arith.constant 0 : i32
    %dma_wait3A_173 = tpu.memref_slice %arg10[%dma_wait3A_170, %dma_wait3A_171, %dma_wait3A_172] : memref<7x128x128xf32, #tpu.memory_space<vmem>> -> memref<1x128x128xf32, #tpu.memory_space<vmem>>
    %dma_wait3A_174 = tpu.memref_squeeze %dma_wait3A_173 : memref<1x128x128xf32, #tpu.memory_space<vmem>> -> memref<128x128xf32, #tpu.memory_space<vmem>>
    %dma_wait3A_175 = arith.constant 0 : i32
    %dma_wait3A_176 = tpu.memref_slice %arg8[%dma_wait3A_169, %dma_wait3A_175] : memref<4x128xi32, #tpu.memory_space<vmem>> -> memref<1x128xi32, #tpu.memory_space<vmem>>
    %dma_wait3A_177 = tpu.memref_squeeze %dma_wait3A_176 : memref<1x128xi32, #tpu.memory_space<vmem>> -> memref<128xi32, #tpu.memory_space<vmem>>
    %dma_wait3A_178 = arith.constant 0 : i32
    %dma_wait3A_179 = arith.constant 0 : i32
    %dma_wait3A_180 = tpu.memref_slice %arg4[%dma_wait3A_178, %dma_wait3A_179] : memref<100000x128xf32, #tpu.memory_space<hbm>> -> memref<100000x128xf32, #tpu.memory_space<hbm>>
    tpu.wait_indirect_dma semaphore(%arg14 : memref<!tpu.dma_semaphore, #tpu.memory_space<semaphore_mem>>) src(%dma_wait3A_180 : memref<100000x128xf32, #tpu.memory_space<hbm>>) dst(%dma_wait3A_174 : memref<128x128xf32, #tpu.memory_space<vmem>>)
    %mul3A_181 = arith.constant 512 : i32
    %mul3A_182 = arith.muli %add3A, %mul3A_181 : i32
    %add3A_183 = arith.constant 128 : i32
    %add3A_184 = arith.addi %mul3A_182, %add3A_183 : i32
    %dma_start3A_185 = arith.constant 1 : i32
    %dma_start3A_186 = arith.constant 0 : i32
    %dma_start3A_187 = arith.constant 0 : i32
    %dma_start3A_188 = tpu.memref_slice %arg10[%dma_start3A_185, %dma_start3A_186, %dma_start3A_187] : memref<7x128x128xf32, #tpu.memory_space<vmem>> -> memref<1x128x128xf32, #tpu.memory_space<vmem>>
    %dma_start3A_189 = tpu.memref_squeeze %dma_start3A_188 : memref<1x128x128xf32, #tpu.memory_space<vmem>> -> memref<128x128xf32, #tpu.memory_space<vmem>>
    %dma_start3A_190 = arith.constant 0 : i32
    %dma_start3A_191 = tpu.memref_slice %arg6[%add3A_184, %dma_start3A_190] : memref<16384x128xf32, #tpu.memory_space<hbm>> -> memref<128x128xf32, #tpu.memory_space<hbm>>
    %dma_start3A_192 = arith.constant 0 : i32
    %dma_start3A_193 = tpu.memref_slice %arg6[%add3A_184, %dma_start3A_192] : memref<16384x128xf32, #tpu.memory_space<hbm>> -> memref<128x128xf32, #tpu.memory_space<hbm>>
    %dma_start3A_194 = arith.constant 0 : i32
    %dma_start3A_195 = arith.constant 0 : i32
    %dma_start3A_196 = tpu.memref_slice %arg10[%dma_start3A_185, %dma_start3A_194, %dma_start3A_195] : memref<7x128x128xf32, #tpu.memory_space<vmem>> -> memref<1x128x128xf32, #tpu.memory_space<vmem>>
    %dma_start3A_197 = tpu.memref_squeeze %dma_start3A_196 : memref<1x128x128xf32, #tpu.memory_space<vmem>> -> memref<128x128xf32, #tpu.memory_space<vmem>>
    tpu.enqueue_dma source(%dma_start3A_197 : memref<128x128xf32, #tpu.memory_space<vmem>>) target(%dma_start3A_193 : memref<128x128xf32, #tpu.memory_space<hbm>>) target_semaphore(%arg21 : memref<!tpu.dma_semaphore, #tpu.memory_space<semaphore_mem>>)
    %dma_wait3A_198 = arith.constant 2 : i32
    %dma_wait3A_199 = arith.constant 2 : i32
    %dma_wait3A_200 = arith.constant 0 : i32
    %dma_wait3A_201 = arith.constant 0 : i32
    %dma_wait3A_202 = tpu.memref_slice %arg10[%dma_wait3A_199, %dma_wait3A_200, %dma_wait3A_201] : memref<7x128x128xf32, #tpu.memory_space<vmem>> -> memref<1x128x128xf32, #tpu.memory_space<vmem>>
    %dma_wait3A_203 = tpu.memref_squeeze %dma_wait3A_202 : memref<1x128x128xf32, #tpu.memory_space<vmem>> -> memref<128x128xf32, #tpu.memory_space<vmem>>
    %dma_wait3A_204 = arith.constant 0 : i32
    %dma_wait3A_205 = tpu.memref_slice %arg8[%dma_wait3A_198, %dma_wait3A_204] : memref<4x128xi32, #tpu.memory_space<vmem>> -> memref<1x128xi32, #tpu.memory_space<vmem>>
    %dma_wait3A_206 = tpu.memref_squeeze %dma_wait3A_205 : memref<1x128xi32, #tpu.memory_space<vmem>> -> memref<128xi32, #tpu.memory_space<vmem>>
    %dma_wait3A_207 = arith.constant 0 : i32
    %dma_wait3A_208 = arith.constant 0 : i32
    %dma_wait3A_209 = tpu.memref_slice %arg4[%dma_wait3A_207, %dma_wait3A_208] : memref<100000x128xf32, #tpu.memory_space<hbm>> -> memref<100000x128xf32, #tpu.memory_space<hbm>>
    tpu.wait_indirect_dma semaphore(%arg15 : memref<!tpu.dma_semaphore, #tpu.memory_space<semaphore_mem>>) src(%dma_wait3A_209 : memref<100000x128xf32, #tpu.memory_space<hbm>>) dst(%dma_wait3A_203 : memref<128x128xf32, #tpu.memory_space<vmem>>)
    %mul3A_210 = arith.constant 512 : i32
    %mul3A_211 = arith.muli %add3A, %mul3A_210 : i32
    %add3A_212 = arith.constant 256 : i32
    %add3A_213 = arith.addi %mul3A_211, %add3A_212 : i32
    %dma_start3A_214 = arith.constant 2 : i32
    %dma_start3A_215 = arith.constant 0 : i32
    %dma_start3A_216 = arith.constant 0 : i32
    %dma_start3A_217 = tpu.memref_slice %arg10[%dma_start3A_214, %dma_start3A_215, %dma_start3A_216] : memref<7x128x128xf32, #tpu.memory_space<vmem>> -> memref<1x128x128xf32, #tpu.memory_space<vmem>>
    %dma_start3A_218 = tpu.memref_squeeze %dma_start3A_217 : memref<1x128x128xf32, #tpu.memory_space<vmem>> -> memref<128x128xf32, #tpu.memory_space<vmem>>
    %dma_start3A_219 = arith.constant 0 : i32
    %dma_start3A_220 = tpu.memref_slice %arg6[%add3A_213, %dma_start3A_219] : memref<16384x128xf32, #tpu.memory_space<hbm>> -> memref<128x128xf32, #tpu.memory_space<hbm>>
    %dma_start3A_221 = arith.constant 0 : i32
    %dma_start3A_222 = tpu.memref_slice %arg6[%add3A_213, %dma_start3A_221] : memref<16384x128xf32, #tpu.memory_space<hbm>> -> memref<128x128xf32, #tpu.memory_space<hbm>>
    %dma_start3A_223 = arith.constant 0 : i32
    %dma_start3A_224 = arith.constant 0 : i32
    %dma_start3A_225 = tpu.memref_slice %arg10[%dma_start3A_214, %dma_start3A_223, %dma_start3A_224] : memref<7x128x128xf32, #tpu.memory_space<vmem>> -> memref<1x128x128xf32, #tpu.memory_space<vmem>>
    %dma_start3A_226 = tpu.memref_squeeze %dma_start3A_225 : memref<1x128x128xf32, #tpu.memory_space<vmem>> -> memref<128x128xf32, #tpu.memory_space<vmem>>
    tpu.enqueue_dma source(%dma_start3A_226 : memref<128x128xf32, #tpu.memory_space<vmem>>) target(%dma_start3A_222 : memref<128x128xf32, #tpu.memory_space<hbm>>) target_semaphore(%arg22 : memref<!tpu.dma_semaphore, #tpu.memory_space<semaphore_mem>>)
    %dma_wait3A_227 = arith.constant 3 : i32
    %dma_wait3A_228 = arith.constant 3 : i32
    %dma_wait3A_229 = arith.constant 0 : i32
    %dma_wait3A_230 = arith.constant 0 : i32
    %dma_wait3A_231 = tpu.memref_slice %arg10[%dma_wait3A_228, %dma_wait3A_229, %dma_wait3A_230] : memref<7x128x128xf32, #tpu.memory_space<vmem>> -> memref<1x128x128xf32, #tpu.memory_space<vmem>>
    %dma_wait3A_232 = tpu.memref_squeeze %dma_wait3A_231 : memref<1x128x128xf32, #tpu.memory_space<vmem>> -> memref<128x128xf32, #tpu.memory_space<vmem>>
    %dma_wait3A_233 = arith.constant 0 : i32
    %dma_wait3A_234 = tpu.memref_slice %arg8[%dma_wait3A_227, %dma_wait3A_233] : memref<4x128xi32, #tpu.memory_space<vmem>> -> memref<1x128xi32, #tpu.memory_space<vmem>>
    %dma_wait3A_235 = tpu.memref_squeeze %dma_wait3A_234 : memref<1x128xi32, #tpu.memory_space<vmem>> -> memref<128xi32, #tpu.memory_space<vmem>>
    %dma_wait3A_236 = arith.constant 0 : i32
    %dma_wait3A_237 = arith.constant 0 : i32
    %dma_wait3A_238 = tpu.memref_slice %arg4[%dma_wait3A_236, %dma_wait3A_237] : memref<100000x128xf32, #tpu.memory_space<hbm>> -> memref<100000x128xf32, #tpu.memory_space<hbm>>
    tpu.wait_indirect_dma semaphore(%arg16 : memref<!tpu.dma_semaphore, #tpu.memory_space<semaphore_mem>>) src(%dma_wait3A_238 : memref<100000x128xf32, #tpu.memory_space<hbm>>) dst(%dma_wait3A_232 : memref<128x128xf32, #tpu.memory_space<vmem>>)
    %mul3A_239 = arith.constant 512 : i32
    %mul3A_240 = arith.muli %add3A, %mul3A_239 : i32
    %add3A_241 = arith.constant 384 : i32
    %add3A_242 = arith.addi %mul3A_240, %add3A_241 : i32
    %dma_start3A_243 = arith.constant 3 : i32
    %dma_start3A_244 = arith.constant 0 : i32
    %dma_start3A_245 = arith.constant 0 : i32
    %dma_start3A_246 = tpu.memref_slice %arg10[%dma_start3A_243, %dma_start3A_244, %dma_start3A_245] : memref<7x128x128xf32, #tpu.memory_space<vmem>> -> memref<1x128x128xf32, #tpu.memory_space<vmem>>
    %dma_start3A_247 = tpu.memref_squeeze %dma_start3A_246 : memref<1x128x128xf32, #tpu.memory_space<vmem>> -> memref<128x128xf32, #tpu.memory_space<vmem>>
    %dma_start3A_248 = arith.constant 0 : i32
    %dma_start3A_249 = tpu.memref_slice %arg6[%add3A_242, %dma_start3A_248] : memref<16384x128xf32, #tpu.memory_space<hbm>> -> memref<128x128xf32, #tpu.memory_space<hbm>>
    %dma_start3A_250 = arith.constant 0 : i32
    %dma_start3A_251 = tpu.memref_slice %arg6[%add3A_242, %dma_start3A_250] : memref<16384x128xf32, #tpu.memory_space<hbm>> -> memref<128x128xf32, #tpu.memory_space<hbm>>
    %dma_start3A_252 = arith.constant 0 : i32
    %dma_start3A_253 = arith.constant 0 : i32
    %dma_start3A_254 = tpu.memref_slice %arg10[%dma_start3A_243, %dma_start3A_252, %dma_start3A_253] : memref<7x128x128xf32, #tpu.memory_space<vmem>> -> memref<1x128x128xf32, #tpu.memory_space<vmem>>
    %dma_start3A_255 = tpu.memref_squeeze %dma_start3A_254 : memref<1x128x128xf32, #tpu.memory_space<vmem>> -> memref<128x128xf32, #tpu.memory_space<vmem>>
    tpu.enqueue_dma source(%dma_start3A_255 : memref<128x128xf32, #tpu.memory_space<vmem>>) target(%dma_start3A_251 : memref<128x128xf32, #tpu.memory_space<hbm>>) target_semaphore(%arg23 : memref<!tpu.dma_semaphore, #tpu.memory_space<semaphore_mem>>)
    %dma_wait3A_256 = arith.constant 0 : i32
    %dma_wait3A_257 = arith.constant 4 : i32
    %dma_wait3A_258 = arith.constant 0 : i32
    %dma_wait3A_259 = arith.constant 0 : i32
    %dma_wait3A_260 = tpu.memref_slice %arg10[%dma_wait3A_257, %dma_wait3A_258, %dma_wait3A_259] : memref<7x128x128xf32, #tpu.memory_space<vmem>> -> memref<1x128x128xf32, #tpu.memory_space<vmem>>
    %dma_wait3A_261 = tpu.memref_squeeze %dma_wait3A_260 : memref<1x128x128xf32, #tpu.memory_space<vmem>> -> memref<128x128xf32, #tpu.memory_space<vmem>>
    %dma_wait3A_262 = arith.constant 0 : i32
    %dma_wait3A_263 = tpu.memref_slice %arg9[%dma_wait3A_256, %dma_wait3A_262] : memref<4x128xi32, #tpu.memory_space<vmem>> -> memref<1x128xi32, #tpu.memory_space<vmem>>
    %dma_wait3A_264 = tpu.memref_squeeze %dma_wait3A_263 : memref<1x128xi32, #tpu.memory_space<vmem>> -> memref<128xi32, #tpu.memory_space<vmem>>
    %dma_wait3A_265 = arith.constant 0 : i32
    %dma_wait3A_266 = arith.constant 0 : i32
    %dma_wait3A_267 = tpu.memref_slice %arg5[%dma_wait3A_265, %dma_wait3A_266] : memref<100000x128xf32, #tpu.memory_space<hbm>> -> memref<100000x128xf32, #tpu.memory_space<hbm>>
    tpu.wait_indirect_dma semaphore(%arg17 : memref<!tpu.dma_semaphore, #tpu.memory_space<semaphore_mem>>) src(%dma_wait3A_267 : memref<100000x128xf32, #tpu.memory_space<hbm>>) dst(%dma_wait3A_261 : memref<128x128xf32, #tpu.memory_space<vmem>>)
    %mul3A_268 = arith.constant 512 : i32
    %mul3A_269 = arith.muli %add3A, %mul3A_268 : i32
    %add3A_270 = arith.constant 0 : i32
    %add3A_271 = arith.addi %mul3A_269, %add3A_270 : i32
    %dma_start3A_272 = arith.constant 4 : i32
    %dma_start3A_273 = arith.constant 0 : i32
    %dma_start3A_274 = arith.constant 0 : i32
    %dma_start3A_275 = tpu.memref_slice %arg10[%dma_start3A_272, %dma_start3A_273, %dma_start3A_274] : memref<7x128x128xf32, #tpu.memory_space<vmem>> -> memref<1x128x128xf32, #tpu.memory_space<vmem>>
    %dma_start3A_276 = tpu.memref_squeeze %dma_start3A_275 : memref<1x128x128xf32, #tpu.memory_space<vmem>> -> memref<128x128xf32, #tpu.memory_space<vmem>>
    %dma_start3A_277 = arith.constant 0 : i32
    %dma_start3A_278 = tpu.memref_slice %arg7[%add3A_271, %dma_start3A_277] : memref<16384x128xf32, #tpu.memory_space<hbm>> -> memref<128x128xf32, #tpu.memory_space<hbm>>
    %dma_start3A_279 = arith.constant 0 : i32
    %dma_start3A_280 = tpu.memref_slice %arg7[%add3A_271, %dma_start3A_279] : memref<16384x128xf32, #tpu.memory_space<hbm>> -> memref<128x128xf32, #tpu.memory_space<hbm>>
    %dma_start3A_281 = arith.constant 0 : i32
    %dma_start3A_282 = arith.constant 0 : i32
    %dma_start3A_283 = tpu.memref_slice %arg10[%dma_start3A_272, %dma_start3A_281, %dma_start3A_282] : memref<7x128x128xf32, #tpu.memory_space<vmem>> -> memref<1x128x128xf32, #tpu.memory_space<vmem>>
    %dma_start3A_284 = tpu.memref_squeeze %dma_start3A_283 : memref<1x128x128xf32, #tpu.memory_space<vmem>> -> memref<128x128xf32, #tpu.memory_space<vmem>>
    tpu.enqueue_dma source(%dma_start3A_284 : memref<128x128xf32, #tpu.memory_space<vmem>>) target(%dma_start3A_280 : memref<128x128xf32, #tpu.memory_space<hbm>>) target_semaphore(%arg24 : memref<!tpu.dma_semaphore, #tpu.memory_space<semaphore_mem>>)
    %dma_wait3A_285 = arith.constant 1 : i32
    %dma_wait3A_286 = arith.constant 5 : i32
    %dma_wait3A_287 = arith.constant 0 : i32
    %dma_wait3A_288 = arith.constant 0 : i32
    %dma_wait3A_289 = tpu.memref_slice %arg10[%dma_wait3A_286, %dma_wait3A_287, %dma_wait3A_288] : memref<7x128x128xf32, #tpu.memory_space<vmem>> -> memref<1x128x128xf32, #tpu.memory_space<vmem>>
    %dma_wait3A_290 = tpu.memref_squeeze %dma_wait3A_289 : memref<1x128x128xf32, #tpu.memory_space<vmem>> -> memref<128x128xf32, #tpu.memory_space<vmem>>
    %dma_wait3A_291 = arith.constant 0 : i32
    %dma_wait3A_292 = tpu.memref_slice %arg9[%dma_wait3A_285, %dma_wait3A_291] : memref<4x128xi32, #tpu.memory_space<vmem>> -> memref<1x128xi32, #tpu.memory_space<vmem>>
    %dma_wait3A_293 = tpu.memref_squeeze %dma_wait3A_292 : memref<1x128xi32, #tpu.memory_space<vmem>> -> memref<128xi32, #tpu.memory_space<vmem>>
    %dma_wait3A_294 = arith.constant 0 : i32
    %dma_wait3A_295 = arith.constant 0 : i32
    %dma_wait3A_296 = tpu.memref_slice %arg5[%dma_wait3A_294, %dma_wait3A_295] : memref<100000x128xf32, #tpu.memory_space<hbm>> -> memref<100000x128xf32, #tpu.memory_space<hbm>>
    tpu.wait_indirect_dma semaphore(%arg18 : memref<!tpu.dma_semaphore, #tpu.memory_space<semaphore_mem>>) src(%dma_wait3A_296 : memref<100000x128xf32, #tpu.memory_space<hbm>>) dst(%dma_wait3A_290 : memref<128x128xf32, #tpu.memory_space<vmem>>)
    %mul3A_297 = arith.constant 512 : i32
    %mul3A_298 = arith.muli %add3A, %mul3A_297 : i32
    %add3A_299 = arith.constant 128 : i32
    %add3A_300 = arith.addi %mul3A_298, %add3A_299 : i32
    %dma_start3A_301 = arith.constant 5 : i32
    %dma_start3A_302 = arith.constant 0 : i32
    %dma_start3A_303 = arith.constant 0 : i32
    %dma_start3A_304 = tpu.memref_slice %arg10[%dma_start3A_301, %dma_start3A_302, %dma_start3A_303] : memref<7x128x128xf32, #tpu.memory_space<vmem>> -> memref<1x128x128xf32, #tpu.memory_space<vmem>>
    %dma_start3A_305 = tpu.memref_squeeze %dma_start3A_304 : memref<1x128x128xf32, #tpu.memory_space<vmem>> -> memref<128x128xf32, #tpu.memory_space<vmem>>
    %dma_start3A_306 = arith.constant 0 : i32
    %dma_start3A_307 = tpu.memref_slice %arg7[%add3A_300, %dma_start3A_306] : memref<16384x128xf32, #tpu.memory_space<hbm>> -> memref<128x128xf32, #tpu.memory_space<hbm>>
    %dma_start3A_308 = arith.constant 0 : i32
    %dma_start3A_309 = tpu.memref_slice %arg7[%add3A_300, %dma_start3A_308] : memref<16384x128xf32, #tpu.memory_space<hbm>> -> memref<128x128xf32, #tpu.memory_space<hbm>>
    %dma_start3A_310 = arith.constant 0 : i32
    %dma_start3A_311 = arith.constant 0 : i32
    %dma_start3A_312 = tpu.memref_slice %arg10[%dma_start3A_301, %dma_start3A_310, %dma_start3A_311] : memref<7x128x128xf32, #tpu.memory_space<vmem>> -> memref<1x128x128xf32, #tpu.memory_space<vmem>>
    %dma_start3A_313 = tpu.memref_squeeze %dma_start3A_312 : memref<1x128x128xf32, #tpu.memory_space<vmem>> -> memref<128x128xf32, #tpu.memory_space<vmem>>
    tpu.enqueue_dma source(%dma_start3A_313 : memref<128x128xf32, #tpu.memory_space<vmem>>) target(%dma_start3A_309 : memref<128x128xf32, #tpu.memory_space<hbm>>) target_semaphore(%arg25 : memref<!tpu.dma_semaphore, #tpu.memory_space<semaphore_mem>>)
    %dma_wait3A_314 = arith.constant 2 : i32
    %dma_wait3A_315 = arith.constant 6 : i32
    %dma_wait3A_316 = arith.constant 0 : i32
    %dma_wait3A_317 = arith.constant 0 : i32
    %dma_wait3A_318 = tpu.memref_slice %arg10[%dma_wait3A_315, %dma_wait3A_316, %dma_wait3A_317] : memref<7x128x128xf32, #tpu.memory_space<vmem>> -> memref<1x128x128xf32, #tpu.memory_space<vmem>>
    %dma_wait3A_319 = tpu.memref_squeeze %dma_wait3A_318 : memref<1x128x128xf32, #tpu.memory_space<vmem>> -> memref<128x128xf32, #tpu.memory_space<vmem>>
    %dma_wait3A_320 = arith.constant 0 : i32
    %dma_wait3A_321 = tpu.memref_slice %arg9[%dma_wait3A_314, %dma_wait3A_320] : memref<4x128xi32, #tpu.memory_space<vmem>> -> memref<1x128xi32, #tpu.memory_space<vmem>>
    %dma_wait3A_322 = tpu.memref_squeeze %dma_wait3A_321 : memref<1x128xi32, #tpu.memory_space<vmem>> -> memref<128xi32, #tpu.memory_space<vmem>>
    %dma_wait3A_323 = arith.constant 0 : i32
    %dma_wait3A_324 = arith.constant 0 : i32
    %dma_wait3A_325 = tpu.memref_slice %arg5[%dma_wait3A_323, %dma_wait3A_324] : memref<100000x128xf32, #tpu.memory_space<hbm>> -> memref<100000x128xf32, #tpu.memory_space<hbm>>
    tpu.wait_indirect_dma semaphore(%arg19 : memref<!tpu.dma_semaphore, #tpu.memory_space<semaphore_mem>>) src(%dma_wait3A_325 : memref<100000x128xf32, #tpu.memory_space<hbm>>) dst(%dma_wait3A_319 : memref<128x128xf32, #tpu.memory_space<vmem>>)
    %mul3A_326 = arith.constant 512 : i32
    %mul3A_327 = arith.muli %add3A, %mul3A_326 : i32
    %add3A_328 = arith.constant 256 : i32
    %add3A_329 = arith.addi %mul3A_327, %add3A_328 : i32
    %dma_start3A_330 = arith.constant 6 : i32
    %dma_start3A_331 = arith.constant 0 : i32
    %dma_start3A_332 = arith.constant 0 : i32
    %dma_start3A_333 = tpu.memref_slice %arg10[%dma_start3A_330, %dma_start3A_331, %dma_start3A_332] : memref<7x128x128xf32, #tpu.memory_space<vmem>> -> memref<1x128x128xf32, #tpu.memory_space<vmem>>
    %dma_start3A_334 = tpu.memref_squeeze %dma_start3A_333 : memref<1x128x128xf32, #tpu.memory_space<vmem>> -> memref<128x128xf32, #tpu.memory_space<vmem>>
    %dma_start3A_335 = arith.constant 0 : i32
    %dma_start3A_336 = tpu.memref_slice %arg7[%add3A_329, %dma_start3A_335] : memref<16384x128xf32, #tpu.memory_space<hbm>> -> memref<128x128xf32, #tpu.memory_space<hbm>>
    %dma_start3A_337 = arith.constant 0 : i32
    %dma_start3A_338 = tpu.memref_slice %arg7[%add3A_329, %dma_start3A_337] : memref<16384x128xf32, #tpu.memory_space<hbm>> -> memref<128x128xf32, #tpu.memory_space<hbm>>
    %dma_start3A_339 = arith.constant 0 : i32
    %dma_start3A_340 = arith.constant 0 : i32
    %dma_start3A_341 = tpu.memref_slice %arg10[%dma_start3A_330, %dma_start3A_339, %dma_start3A_340] : memref<7x128x128xf32, #tpu.memory_space<vmem>> -> memref<1x128x128xf32, #tpu.memory_space<vmem>>
    %dma_start3A_342 = tpu.memref_squeeze %dma_start3A_341 : memref<1x128x128xf32, #tpu.memory_space<vmem>> -> memref<128x128xf32, #tpu.memory_space<vmem>>
    tpu.enqueue_dma source(%dma_start3A_342 : memref<128x128xf32, #tpu.memory_space<vmem>>) target(%dma_start3A_338 : memref<128x128xf32, #tpu.memory_space<hbm>>) target_semaphore(%arg26 : memref<!tpu.dma_semaphore, #tpu.memory_space<semaphore_mem>>)
    %dma_wait3A_343 = arith.constant 3 : i32
    %dma_wait3A_344 = arith.constant 0 : i32
    %dma_wait3A_345 = arith.constant 0 : i32
    %dma_wait3A_346 = arith.constant 0 : i32
    %dma_wait3A_347 = tpu.memref_slice %arg10[%dma_wait3A_344, %dma_wait3A_345, %dma_wait3A_346] : memref<7x128x128xf32, #tpu.memory_space<vmem>> -> memref<1x128x128xf32, #tpu.memory_space<vmem>>
    %dma_wait3A_348 = tpu.memref_squeeze %dma_wait3A_347 : memref<1x128x128xf32, #tpu.memory_space<vmem>> -> memref<128x128xf32, #tpu.memory_space<vmem>>
    %dma_wait3A_349 = arith.constant 0 : i32
    %dma_wait3A_350 = tpu.memref_slice %arg9[%dma_wait3A_343, %dma_wait3A_349] : memref<4x128xi32, #tpu.memory_space<vmem>> -> memref<1x128xi32, #tpu.memory_space<vmem>>
    %dma_wait3A_351 = tpu.memref_squeeze %dma_wait3A_350 : memref<1x128xi32, #tpu.memory_space<vmem>> -> memref<128xi32, #tpu.memory_space<vmem>>
    %dma_wait3A_352 = arith.constant 0 : i32
    %dma_wait3A_353 = arith.constant 0 : i32
    %dma_wait3A_354 = tpu.memref_slice %arg5[%dma_wait3A_352, %dma_wait3A_353] : memref<100000x128xf32, #tpu.memory_space<hbm>> -> memref<100000x128xf32, #tpu.memory_space<hbm>>
    tpu.wait_indirect_dma semaphore(%arg13 : memref<!tpu.dma_semaphore, #tpu.memory_space<semaphore_mem>>) src(%dma_wait3A_354 : memref<100000x128xf32, #tpu.memory_space<hbm>>) dst(%dma_wait3A_348 : memref<128x128xf32, #tpu.memory_space<vmem>>)
    %mul3A_355 = arith.constant 512 : i32
    %mul3A_356 = arith.muli %add3A, %mul3A_355 : i32
    %add3A_357 = arith.constant 384 : i32
    %add3A_358 = arith.addi %mul3A_356, %add3A_357 : i32
    %dma_start3A_359 = arith.constant 0 : i32
    %dma_start3A_360 = arith.constant 0 : i32
    %dma_start3A_361 = arith.constant 0 : i32
    %dma_start3A_362 = tpu.memref_slice %arg10[%dma_start3A_359, %dma_start3A_360, %dma_start3A_361] : memref<7x128x128xf32, #tpu.memory_space<vmem>> -> memref<1x128x128xf32, #tpu.memory_space<vmem>>
    %dma_start3A_363 = tpu.memref_squeeze %dma_start3A_362 : memref<1x128x128xf32, #tpu.memory_space<vmem>> -> memref<128x128xf32, #tpu.memory_space<vmem>>
    %dma_start3A_364 = arith.constant 0 : i32
    %dma_start3A_365 = tpu.memref_slice %arg7[%add3A_358, %dma_start3A_364] : memref<16384x128xf32, #tpu.memory_space<hbm>> -> memref<128x128xf32, #tpu.memory_space<hbm>>
    %dma_start3A_366 = arith.constant 0 : i32
    %dma_start3A_367 = tpu.memref_slice %arg7[%add3A_358, %dma_start3A_366] : memref<16384x128xf32, #tpu.memory_space<hbm>> -> memref<128x128xf32, #tpu.memory_space<hbm>>
    %dma_start3A_368 = arith.constant 0 : i32
    %dma_start3A_369 = arith.constant 0 : i32
    %dma_start3A_370 = tpu.memref_slice %arg10[%dma_start3A_359, %dma_start3A_368, %dma_start3A_369] : memref<7x128x128xf32, #tpu.memory_space<vmem>> -> memref<1x128x128xf32, #tpu.memory_space<vmem>>
    %dma_start3A_371 = tpu.memref_squeeze %dma_start3A_370 : memref<1x128x128xf32, #tpu.memory_space<vmem>> -> memref<128x128xf32, #tpu.memory_space<vmem>>
    tpu.enqueue_dma source(%dma_start3A_371 : memref<128x128xf32, #tpu.memory_space<vmem>>) target(%dma_start3A_367 : memref<128x128xf32, #tpu.memory_space<hbm>>) target_semaphore(%arg20 : memref<!tpu.dma_semaphore, #tpu.memory_space<semaphore_mem>>)
    %dma_wait3A_372 = arith.constant 1 : i32
    %dma_wait3A_373 = arith.constant 0 : i32
    %dma_wait3A_374 = arith.constant 0 : i32
    %dma_wait3A_375 = tpu.memref_slice %arg10[%dma_wait3A_372, %dma_wait3A_373, %dma_wait3A_374] : memref<7x128x128xf32, #tpu.memory_space<vmem>> -> memref<1x128x128xf32, #tpu.memory_space<vmem>>
    %dma_wait3A_376 = tpu.memref_squeeze %dma_wait3A_375 : memref<1x128x128xf32, #tpu.memory_space<vmem>> -> memref<128x128xf32, #tpu.memory_space<vmem>>
    %dma_wait3A_377 = arith.constant 0 : i32
    %dma_wait3A_378 = tpu.memref_slice %arg6[%add3A_184, %dma_wait3A_377] : memref<16384x128xf32, #tpu.memory_space<hbm>> -> memref<128x128xf32, #tpu.memory_space<hbm>>
    %dma_wait3A_379 = arith.constant 0 : i32
    %dma_wait3A_380 = tpu.memref_slice %arg6[%add3A_184, %dma_wait3A_379] : memref<16384x128xf32, #tpu.memory_space<hbm>> -> memref<128x128xf32, #tpu.memory_space<hbm>>
    %dma_wait3A_381 = arith.constant 0 : i32
    %dma_wait3A_382 = arith.constant 0 : i32
    %dma_wait3A_383 = tpu.memref_slice %arg10[%dma_wait3A_372, %dma_wait3A_381, %dma_wait3A_382] : memref<7x128x128xf32, #tpu.memory_space<vmem>> -> memref<1x128x128xf32, #tpu.memory_space<vmem>>
    %dma_wait3A_384 = tpu.memref_squeeze %dma_wait3A_383 : memref<1x128x128xf32, #tpu.memory_space<vmem>> -> memref<128x128xf32, #tpu.memory_space<vmem>>
    tpu.wait_dma2 semaphore(%arg21 : memref<!tpu.dma_semaphore, #tpu.memory_space<semaphore_mem>>) src(%dma_wait3A_384 : memref<128x128xf32, #tpu.memory_space<vmem>>) dst(%dma_wait3A_380 : memref<128x128xf32, #tpu.memory_space<hbm>>)
    %dma_wait3A_385 = arith.constant 2 : i32
    %dma_wait3A_386 = arith.constant 0 : i32
    %dma_wait3A_387 = arith.constant 0 : i32
    %dma_wait3A_388 = tpu.memref_slice %arg10[%dma_wait3A_385, %dma_wait3A_386, %dma_wait3A_387] : memref<7x128x128xf32, #tpu.memory_space<vmem>> -> memref<1x128x128xf32, #tpu.memory_space<vmem>>
    %dma_wait3A_389 = tpu.memref_squeeze %dma_wait3A_388 : memref<1x128x128xf32, #tpu.memory_space<vmem>> -> memref<128x128xf32, #tpu.memory_space<vmem>>
    %dma_wait3A_390 = arith.constant 0 : i32
    %dma_wait3A_391 = tpu.memref_slice %arg6[%add3A_213, %dma_wait3A_390] : memref<16384x128xf32, #tpu.memory_space<hbm>> -> memref<128x128xf32, #tpu.memory_space<hbm>>
    %dma_wait3A_392 = arith.constant 0 : i32
    %dma_wait3A_393 = tpu.memref_slice %arg6[%add3A_213, %dma_wait3A_392] : memref<16384x128xf32, #tpu.memory_space<hbm>> -> memref<128x128xf32, #tpu.memory_space<hbm>>
    %dma_wait3A_394 = arith.constant 0 : i32
    %dma_wait3A_395 = arith.constant 0 : i32
    %dma_wait3A_396 = tpu.memref_slice %arg10[%dma_wait3A_385, %dma_wait3A_394, %dma_wait3A_395] : memref<7x128x128xf32, #tpu.memory_space<vmem>> -> memref<1x128x128xf32, #tpu.memory_space<vmem>>
    %dma_wait3A_397 = tpu.memref_squeeze %dma_wait3A_396 : memref<1x128x128xf32, #tpu.memory_space<vmem>> -> memref<128x128xf32, #tpu.memory_space<vmem>>
    tpu.wait_dma2 semaphore(%arg22 : memref<!tpu.dma_semaphore, #tpu.memory_space<semaphore_mem>>) src(%dma_wait3A_397 : memref<128x128xf32, #tpu.memory_space<vmem>>) dst(%dma_wait3A_393 : memref<128x128xf32, #tpu.memory_space<hbm>>)
    %dma_wait3A_398 = arith.constant 3 : i32
    %dma_wait3A_399 = arith.constant 0 : i32
    %dma_wait3A_400 = arith.constant 0 : i32
    %dma_wait3A_401 = tpu.memref_slice %arg10[%dma_wait3A_398, %dma_wait3A_399, %dma_wait3A_400] : memref<7x128x128xf32, #tpu.memory_space<vmem>> -> memref<1x128x128xf32, #tpu.memory_space<vmem>>
    %dma_wait3A_402 = tpu.memref_squeeze %dma_wait3A_401 : memref<1x128x128xf32, #tpu.memory_space<vmem>> -> memref<128x128xf32, #tpu.memory_space<vmem>>
    %dma_wait3A_403 = arith.constant 0 : i32
    %dma_wait3A_404 = tpu.memref_slice %arg6[%add3A_242, %dma_wait3A_403] : memref<16384x128xf32, #tpu.memory_space<hbm>> -> memref<128x128xf32, #tpu.memory_space<hbm>>
    %dma_wait3A_405 = arith.constant 0 : i32
    %dma_wait3A_406 = tpu.memref_slice %arg6[%add3A_242, %dma_wait3A_405] : memref<16384x128xf32, #tpu.memory_space<hbm>> -> memref<128x128xf32, #tpu.memory_space<hbm>>
    %dma_wait3A_407 = arith.constant 0 : i32
    %dma_wait3A_408 = arith.constant 0 : i32
    %dma_wait3A_409 = tpu.memref_slice %arg10[%dma_wait3A_398, %dma_wait3A_407, %dma_wait3A_408] : memref<7x128x128xf32, #tpu.memory_space<vmem>> -> memref<1x128x128xf32, #tpu.memory_space<vmem>>
    %dma_wait3A_410 = tpu.memref_squeeze %dma_wait3A_409 : memref<1x128x128xf32, #tpu.memory_space<vmem>> -> memref<128x128xf32, #tpu.memory_space<vmem>>
    tpu.wait_dma2 semaphore(%arg23 : memref<!tpu.dma_semaphore, #tpu.memory_space<semaphore_mem>>) src(%dma_wait3A_410 : memref<128x128xf32, #tpu.memory_space<vmem>>) dst(%dma_wait3A_406 : memref<128x128xf32, #tpu.memory_space<hbm>>)
    %dma_wait3A_411 = arith.constant 4 : i32
    %dma_wait3A_412 = arith.constant 0 : i32
    %dma_wait3A_413 = arith.constant 0 : i32
    %dma_wait3A_414 = tpu.memref_slice %arg10[%dma_wait3A_411, %dma_wait3A_412, %dma_wait3A_413] : memref<7x128x128xf32, #tpu.memory_space<vmem>> -> memref<1x128x128xf32, #tpu.memory_space<vmem>>
    %dma_wait3A_415 = tpu.memref_squeeze %dma_wait3A_414 : memref<1x128x128xf32, #tpu.memory_space<vmem>> -> memref<128x128xf32, #tpu.memory_space<vmem>>
    %dma_wait3A_416 = arith.constant 0 : i32
    %dma_wait3A_417 = tpu.memref_slice %arg7[%add3A_271, %dma_wait3A_416] : memref<16384x128xf32, #tpu.memory_space<hbm>> -> memref<128x128xf32, #tpu.memory_space<hbm>>
    %dma_wait3A_418 = arith.constant 0 : i32
    %dma_wait3A_419 = tpu.memref_slice %arg7[%add3A_271, %dma_wait3A_418] : memref<16384x128xf32, #tpu.memory_space<hbm>> -> memref<128x128xf32, #tpu.memory_space<hbm>>
    %dma_wait3A_420 = arith.constant 0 : i32
    %dma_wait3A_421 = arith.constant 0 : i32
    %dma_wait3A_422 = tpu.memref_slice %arg10[%dma_wait3A_411, %dma_wait3A_420, %dma_wait3A_421] : memref<7x128x128xf32, #tpu.memory_space<vmem>> -> memref<1x128x128xf32, #tpu.memory_space<vmem>>
    %dma_wait3A_423 = tpu.memref_squeeze %dma_wait3A_422 : memref<1x128x128xf32, #tpu.memory_space<vmem>> -> memref<128x128xf32, #tpu.memory_space<vmem>>
    tpu.wait_dma2 semaphore(%arg24 : memref<!tpu.dma_semaphore, #tpu.memory_space<semaphore_mem>>) src(%dma_wait3A_423 : memref<128x128xf32, #tpu.memory_space<vmem>>) dst(%dma_wait3A_419 : memref<128x128xf32, #tpu.memory_space<hbm>>)
    %dma_wait3A_424 = arith.constant 5 : i32
    %dma_wait3A_425 = arith.constant 0 : i32
    %dma_wait3A_426 = arith.constant 0 : i32
    %dma_wait3A_427 = tpu.memref_slice %arg10[%dma_wait3A_424, %dma_wait3A_425, %dma_wait3A_426] : memref<7x128x128xf32, #tpu.memory_space<vmem>> -> memref<1x128x128xf32, #tpu.memory_space<vmem>>
    %dma_wait3A_428 = tpu.memref_squeeze %dma_wait3A_427 : memref<1x128x128xf32, #tpu.memory_space<vmem>> -> memref<128x128xf32, #tpu.memory_space<vmem>>
    %dma_wait3A_429 = arith.constant 0 : i32
    %dma_wait3A_430 = tpu.memref_slice %arg7[%add3A_300, %dma_wait3A_429] : memref<16384x128xf32, #tpu.memory_space<hbm>> -> memref<128x128xf32, #tpu.memory_space<hbm>>
    %dma_wait3A_431 = arith.constant 0 : i32
    %dma_wait3A_432 = tpu.memref_slice %arg7[%add3A_300, %dma_wait3A_431] : memref<16384x128xf32, #tpu.memory_space<hbm>> -> memref<128x128xf32, #tpu.memory_space<hbm>>
    %dma_wait3A_433 = arith.constant 0 : i32
    %dma_wait3A_434 = arith.constant 0 : i32
    %dma_wait3A_435 = tpu.memref_slice %arg10[%dma_wait3A_424, %dma_wait3A_433, %dma_wait3A_434] : memref<7x128x128xf32, #tpu.memory_space<vmem>> -> memref<1x128x128xf32, #tpu.memory_space<vmem>>
    %dma_wait3A_436 = tpu.memref_squeeze %dma_wait3A_435 : memref<1x128x128xf32, #tpu.memory_space<vmem>> -> memref<128x128xf32, #tpu.memory_space<vmem>>
    tpu.wait_dma2 semaphore(%arg25 : memref<!tpu.dma_semaphore, #tpu.memory_space<semaphore_mem>>) src(%dma_wait3A_436 : memref<128x128xf32, #tpu.memory_space<vmem>>) dst(%dma_wait3A_432 : memref<128x128xf32, #tpu.memory_space<hbm>>)
    %dma_wait3A_437 = arith.constant 6 : i32
    %dma_wait3A_438 = arith.constant 0 : i32
    %dma_wait3A_439 = arith.constant 0 : i32
    %dma_wait3A_440 = tpu.memref_slice %arg10[%dma_wait3A_437, %dma_wait3A_438, %dma_wait3A_439] : memref<7x128x128xf32, #tpu.memory_space<vmem>> -> memref<1x128x128xf32, #tpu.memory_space<vmem>>
    %dma_wait3A_441 = tpu.memref_squeeze %dma_wait3A_440 : memref<1x128x128xf32, #tpu.memory_space<vmem>> -> memref<128x128xf32, #tpu.memory_space<vmem>>
    %dma_wait3A_442 = arith.constant 0 : i32
    %dma_wait3A_443 = tpu.memref_slice %arg7[%add3A_329, %dma_wait3A_442] : memref<16384x128xf32, #tpu.memory_space<hbm>> -> memref<128x128xf32, #tpu.memory_space<hbm>>
    %dma_wait3A_444 = arith.constant 0 : i32
    %dma_wait3A_445 = tpu.memref_slice %arg7[%add3A_329, %dma_wait3A_444] : memref<16384x128xf32, #tpu.memory_space<hbm>> -> memref<128x128xf32, #tpu.memory_space<hbm>>
    %dma_wait3A_446 = arith.constant 0 : i32
    %dma_wait3A_447 = arith.constant 0 : i32
    %dma_wait3A_448 = tpu.memref_slice %arg10[%dma_wait3A_437, %dma_wait3A_446, %dma_wait3A_447] : memref<7x128x128xf32, #tpu.memory_space<vmem>> -> memref<1x128x128xf32, #tpu.memory_space<vmem>>
    %dma_wait3A_449 = tpu.memref_squeeze %dma_wait3A_448 : memref<1x128x128xf32, #tpu.memory_space<vmem>> -> memref<128x128xf32, #tpu.memory_space<vmem>>
    tpu.wait_dma2 semaphore(%arg26 : memref<!tpu.dma_semaphore, #tpu.memory_space<semaphore_mem>>) src(%dma_wait3A_449 : memref<128x128xf32, #tpu.memory_space<vmem>>) dst(%dma_wait3A_445 : memref<128x128xf32, #tpu.memory_space<hbm>>)
    %dma_wait3A_450 = arith.constant 0 : i32
    %dma_wait3A_451 = arith.constant 0 : i32
    %dma_wait3A_452 = arith.constant 0 : i32
    %dma_wait3A_453 = tpu.memref_slice %arg10[%dma_wait3A_450, %dma_wait3A_451, %dma_wait3A_452] : memref<7x128x128xf32, #tpu.memory_space<vmem>> -> memref<1x128x128xf32, #tpu.memory_space<vmem>>
    %dma_wait3A_454 = tpu.memref_squeeze %dma_wait3A_453 : memref<1x128x128xf32, #tpu.memory_space<vmem>> -> memref<128x128xf32, #tpu.memory_space<vmem>>
    %dma_wait3A_455 = arith.constant 0 : i32
    %dma_wait3A_456 = tpu.memref_slice %arg7[%add3A_358, %dma_wait3A_455] : memref<16384x128xf32, #tpu.memory_space<hbm>> -> memref<128x128xf32, #tpu.memory_space<hbm>>
    %dma_wait3A_457 = arith.constant 0 : i32
    %dma_wait3A_458 = tpu.memref_slice %arg7[%add3A_358, %dma_wait3A_457] : memref<16384x128xf32, #tpu.memory_space<hbm>> -> memref<128x128xf32, #tpu.memory_space<hbm>>
    %dma_wait3A_459 = arith.constant 0 : i32
    %dma_wait3A_460 = arith.constant 0 : i32
    %dma_wait3A_461 = tpu.memref_slice %arg10[%dma_wait3A_450, %dma_wait3A_459, %dma_wait3A_460] : memref<7x128x128xf32, #tpu.memory_space<vmem>> -> memref<1x128x128xf32, #tpu.memory_space<vmem>>
    %dma_wait3A_462 = tpu.memref_squeeze %dma_wait3A_461 : memref<1x128x128xf32, #tpu.memory_space<vmem>> -> memref<128x128xf32, #tpu.memory_space<vmem>>
    tpu.wait_dma2 semaphore(%arg20 : memref<!tpu.dma_semaphore, #tpu.memory_space<semaphore_mem>>) src(%dma_wait3A_462 : memref<128x128xf32, #tpu.memory_space<vmem>>) dst(%dma_wait3A_458 : memref<128x128xf32, #tpu.memory_space<hbm>>)
    return
  }
}

</mosaic_0001>

<sc_bundles>
// kernel: kernel.3.cloned.1.call-start
scs
__scs_entry_jumppad:
0x0: {  	(pc) =	sbr.rel $0x88, $3  }
0x1: {  	(tag) =	ssettag $0x0;
	lr =	simm.s32 $0x1  }
0x2: {  	[smem:$0x3F9D] =	sst lr;
	_ =	strace $0xD0000000  }
0x3: {  	_ = 	snop  }
0x4: {  	_ = 	snop  }
0x5: {  	_ = 	snop  }
0x6: {  	_ = 	snop  }
0x7: {  	_ = 	snop  }
__scs_overlays_trampoline_lowered:
0x8: {  	[smem:$0x3FAC] =	sst s0  }
0x9: {  	[smem:$0x3FAD] =	sst s1  }
0xa: {  	[smem:$0x3FAE] =	sst s2  }
0xb: {  	[smem:$0x3FAF] =	sst s3  }
0xc: {  	[smem:$0x3FB0] =	sst s4  }
0xd: {  	[smem:$0x3FB1] =	sst s5  }
0xe: {  	[smem:$0x3FB2] =	sst s6  }
0xf: {  	[smem:$0x3FB3] =	sst s7  }
0x10: {  	[smem:$0x3FB4] =	sst s8  }
0x11: {  	[smem:$0x3FB5] =	sst s9;
	s0 =	simm.s32 @!p0 $0x0  }
0x12: {  	s1 =	sld [smem:$0x3F9B];
	s0 =	simm.s32 @p0 $0x1  }
0x13: {  	[smem:$0x3FB6] =	sst s0;
	s0 =	simm.s32 @!p1 $0x0  }
0x14: {  	s2 =	sld [smem:$0x3F9A];
	s0 =	simm.s32 @p1 $0x1  }
0x15: {  	[smem:$0x3FB7] =	sst s0;
	s0 =	simm.s32 @!p2 $0x0  }
0x16: {  	s3 =	sld [smem:$0x3FDB];
	s0 =	simm.s32 @p2 $0x1  }
0x17: {  	s4 =	simm.s32 $0x1BF5;
	[smem:$0x3FB9] =	sst s0  }
0x18: {  	s0 =	sld [smem:$0x3F9C];
	_ =	swait.ge [sflag:s4], $0x0  }
0x19: {  	s7 =	sld [smem:$0x3F9D]  }
0x1a: {  	s8 =	sadd.s32 $0xFFFFE003, lr  }
0x1b: {  	s9 =	sadd.s32 $0xFFFFFEF7, lr;
	s5 =	simm.s32 $0xFFFFFFFF;
	p2 =	slt.u32 s8, $0xFFFFF086  }
0x1c: {  	p1 =	slt.u32 s9, $0xF7A;
	s5 =	simm.s32 @!p2 $0x0  }
0x1d: {  	s5 =	simm.s32 @p1 $0x1;
	p0 =	seq.s32 s7, s2  }
0x1e: {  	s7 =	smul.u32 @!p0 $0xF7A, s2;
	p2 =	seq.s32 @!p0 s5, $0x0  }
0x1f: {  	s9 =	smul.u32 $0xF7A, s1;
	s8 =	simm.s32 @!p0 $0x1BF5;
	p2 =	por !p2, p0  }
0x20: {  	[sflag:s8] =	ssyncset.s32 @!p0 $0xFFFFF086;
	s6 =	sadd.s32 @!p0 s3, s7;
	s7 =	simm.s32 @!p0 $0x108  }
0x21: {  	s3 =	sadd.s32 s3, s9;
	s6 =	sadd.s32 @!p0 $0x88, s6;
	s7 =	simm.s32 @p2 $0x1082  }
0x22: {  	[simem:s7], [sflag:s8] =	dma.local @!p0 [hbm:s6], $0xF7A  }
0x23: {  	s9 =	sor.u32 $0xD0000000, s2;
	s6 =	simm.s32 $0x108;
	_ =	swait.ge @!p0 [sflag:s8], $0x0  }
0x24: {  	s3 =	sadd.s32 $0x88, s3;
	s6 =	simm.s32 @!p1 $0x1082;
	[sflag:s4] =	ssyncset.s32 $0xFFFFF086  }
0x25: {  	[simem:s6], [sflag:s4] =	dma.local [hbm:s3], $0xF7A  }
0x26: {  	[smem:$0x3F9D] =	sst s1;
	(tag) =	ssettag s2;
	_ =	strace s9  }
0x27: {  	s1 =	sld [smem:$0x3FAD]  }
0x28: {  	s2 =	sld [smem:$0x3FAE]  }
0x29: {  	s4 =	sld [smem:$0x3FB0]  }
0x2a: {  	p0 =	seq.s32 s5, $0x0;
	s5 =	sld [smem:$0x3FB1]  }
0x2b: {  	s6 =	sld [smem:$0x3FB2]  }
0x2c: {  	s7 =	sld [smem:$0x3FB3]  }
0x2d: {  	s3 =	simm.s32 $0x108;
	s8 =	sld [smem:$0x3FB4]  }
0x2e: {  	s3 =	simm.s32 @!p0 $0x1082;
	s9 =	sld [smem:$0x3FB5]  }
0x2f: {  	lr =	sadd.s32 s0, s3;
	s0 =	sld [smem:$0x3FAC]  }
0x30: {  	s3 =	sld [smem:$0x3FAF]  }
0x31: {  	[smem:$0x3FB8] =	sst s10  }
0x32: {  	s10 =	sld [smem:$0x3FB6];
	_ =	sdelay $0x3  }
0x33: {  	p0 =	seq.s32 s10, $0x1;
	s10 =	sld [smem:$0x3FB8];
	_ =	sdelay $0x3  }
0x34: {  	[smem:$0x3FB8] =	sst s10  }
0x35: {  	s10 =	sld [smem:$0x3FB7];
	_ =	sdelay $0x3  }
0x36: {  	p1 =	seq.s32 s10, $0x1;
	s10 =	sld [smem:$0x3FB8];
	_ =	sdelay $0x3  }
0x37: {  	[smem:$0x3FB8] =	sst s10  }
0x38: {  	s10 =	sld [smem:$0x3FB9]  }
0x39: {  	_ = 	snop;
	(pc) =	sbr.ind lr, $3  }
0x3a: {  	_ = 	snop  }
0x3b: {  	_ = 	snop  }
0x3c: {  	p2 =	seq.s32 s10, $0x1;
	s10 =	sld [smem:$0x3FB8]  }
0x3d: {  	_ =	shalt  }
0x3e: {  	_ =	shalt  }
0x3f: {  	_ =	shalt  }
0x40: {  	_ =	shalt  }
0x41: {  	_ =	shalt  }
0x42: {  	_ =	shalt  }
0x43: {  	_ =	shalt  }
0x44: {  	_ =	shalt  }
0x45: {  	_ =	shalt  }
0x46: {  	_ =	shalt  }
0x47: {  	_ =	shalt  }
0x48: {  	_ =	shalt  }
0x49: {  	_ =	shalt  }
0x4a: {  	_ =	shalt  }
0x4b: {  	_ =	shalt  }
0x4c: {  	_ =	shalt  }
0x4d: {  	_ =	shalt  }
0x4e: {  	_ =	shalt  }
0x4f: {  	_ =	shalt  }
0x50: {  	_ =	shalt  }
0x51: {  	_ =	shalt  }
0x52: {  	_ =	shalt  }
0x53: {  	_ =	shalt  }
0x54: {  	_ =	shalt  }
0x55: {  	_ =	shalt  }
0x56: {  	_ =	shalt  }
0x57: {  	_ =	shalt  }
0x58: {  	_ =	shalt  }
0x59: {  	_ =	shalt  }
0x5a: {  	_ =	shalt  }
0x5b: {  	_ =	shalt  }
0x5c: {  	_ =	shalt  }
0x5d: {  	_ =	shalt  }
0x5e: {  	_ =	shalt  }
0x5f: {  	_ =	shalt  }
0x60: {  	_ =	shalt  }
0x61: {  	_ =	shalt  }
0x62: {  	_ =	shalt  }
0x63: {  	_ =	shalt  }
0x64: {  	_ =	shalt  }
0x65: {  	_ =	shalt  }
0x66: {  	_ =	shalt  }
0x67: {  	_ =	shalt  }
0x68: {  	_ =	shalt  }
0x69: {  	_ =	shalt  }
0x6a: {  	_ =	shalt  }
0x6b: {  	_ =	shalt  }
0x6c: {  	_ =	shalt  }
0x6d: {  	_ =	shalt  }
0x6e: {  	_ =	shalt  }
0x6f: {  	_ =	shalt  }
0x70: {  	_ =	shalt  }
0x71: {  	_ =	shalt  }
0x72: {  	_ =	shalt  }
0x73: {  	_ =	shalt  }
0x74: {  	_ =	shalt  }
0x75: {  	_ =	shalt  }
0x76: {  	_ =	shalt  }
0x77: {  	_ =	shalt  }
0x78: {  	_ =	shalt  }
0x79: {  	_ =	shalt  }
0x7a: {  	_ =	shalt  }
0x7b: {  	_ =	shalt  }
0x7c: {  	_ =	shalt  }
0x7d: {  	_ =	shalt  }
0x7e: {  	_ =	shalt  }
0x7f: {  	_ =	shalt  }
0x80: {  	_ =	shalt  }
0x81: {  	_ =	shalt  }
0x82: {  	_ =	shalt  }
0x83: {  	_ =	shalt  }
0x84: {  	_ =	shalt  }
0x85: {  	_ =	shalt  }
0x86: {  	_ =	shalt  }
0x87: {  	_ =	shalt  }
.Lfunc_end0:
.L_simem_size_0:
called_computation_lowered:
.L_overlay_start_0:
0x88: {  	s2 =	sld [smem:$0x3FD9]  }
0x89: {  	s3 =	sld [smem:$0x3FFE];
	_ =	sdelay $0x1  }
0x8a: {  	s1 =	srdreg.scid  }
0x8b: {  	s0 =	sand.u32 $0x1, s1  }
0x8c: {  	s15 =	sshll.u32 s0, $0xA;
	s2 =	sadd.s32 s3, s2  }
0x8d: {  	s2 =	sadd.s32 s2, s15  }
0x8e: {  	[smem:$0x3FC4] =	sst s2  }
0x8f: {  	_ = 	snop  }
0x90: {  	s2 =	sld [smem:$0x3FC9]  }
0x91: {  	s16 =	sld [smem:$0x3FD0]  }
0x92: {  	s4 =	sld [smem:$0x3FC8]  }
0x93: {  	s5 =	sld [smem:$0x3FC7]  }
0x94: {  	s7 =	simm.s32 $0xA;
	s8 =	simm.s32 $0x10;
	s6 =	sld [smem:$0x3FC6]  }
0x95: {  	[smem:s8], [sflag:s7] =	dma.local [hbm:s16], $0x1  }
0x96: {  	_ =	swait.eq [sflag:s7], $0x1  }
0x97: {  	[sflag:s7] =	ssyncset.done $0x0  }
0x98: {  	s17 =	sld [smem:$0x10];
	[sflag:s7] =	ssyncadd.s32 $0xFFFFFFFF  }
0x99: {  	s18 =	sld [smem:$0x11];
	(tm) =	ssettm $0x1  }
0x9a: {  	s19 =	sld [smem:$0x3FFB];
	_ =	sdelay $0x3  }
0x9b: {  	_ =	strace s19  }
0x9c: {  	s8 =	sld [smem:$0x3FFC];
	_ =	sdelay $0x3  }
0x9d: {  	_ =	strace s8  }
0x9e: {  	s8 =	sld [smem:$0x3FFD];
	_ =	sdelay $0x3  }
0x9f: {  	_ =	strace s8  }
0xa0: {  	_ =	strace $0x8FFFFFFF  }
0xa1: {  	s20 =	sld [smem:$0x3FDB];
	_ =	sdelay $0x1  }
0xa2: {  	s9 =	simm.s32 $_scs_section_size  }
0xa3: {  	s10 =	simm.s32 $_size__tile_overlayer_lowered;
	s11 =	simm.s32 $_tile_overlayer_lowered  }
0xa4: {  	s23 =	simm.s32 $0x1BFF;
	s22 =	sshll.u32 s11, $0x1;
	s8 =	sadd.s32 s9, s20  }
0xa5: {  	s12 =	simm.s32 $0x0;
	s21 =	sshll.u32 s10, $0x1;
	s10 =	sadd.s32 s22, s8  }
0xa6: {  	[timem:s12], [sflag:s23] =	dma.local [hbm:s10], s21  }
0xa7: {  	_ =	swait.ge [sflag:s23], s21  }
0xa8: {  	s9 =	ssub.s32 $0x0, s21;
	[sflag:s23] =	ssyncset.done $0x0  }
0xa9: {  	[sflag:s23] =	ssyncadd.s32 s9;
	_ =	sdelay $0x1  }
0xaa: {  	s24 =	simm.s32 $0x1B8B  }
0xab: {  	_ =	swait.ge [sflag:s24], $0x1  }
0xac: {  	[sflag:s24] =	ssyncset.done $0x0  }
0xad: {  	s25 =	simm.s32 $0x1B8E;
	[sflag:s24] =	ssyncadd.s32 $0xFFFFFFFF  }
0xae: {  	s26 =	simm.s32 $execute0_lowered;
	[smem:$0x3FD2] =	sst s25  }
0xaf: {  	s9 =	sshll.u32 s26, $0x1;
	_ =	strace $0x80000046;
	[dreg:$0x1] =	wrdreg $0xFFFFFFFF  }
0xb0: {  	s28 =	simm.s32 $_size_execute0_lowered;
	s8 =	sadd.s32 s8, s9;
	[dreg:$0x0] =	wrdreg $0x0  }
0xb1: {  	s9 =	sshll.u32 s28, $0x1;
	[dreg:$0x2] =	wrdreg s8  }
0xb2: {  	[dreg:$0x3] =	wrdreg s9  }
0xb3: {  	[dreg:$0x4] =	wrdreg $0xC0  }
0xb4: {  	_ =	task [dreg:s12], $0x5FFFF  }
0xb5: {  	[dreg:$0x1] =	wrdreg $0xFFFFFFFF  }
0xb6: {  	[dreg:$0x0] =	wrdreg $0x60  }
0xb7: {  	[dreg:$0x2] =	wrdreg s2  }
0xb8: {  	[dreg:$0x3] =	wrdreg s4  }
0xb9: {  	[dreg:$0x4] =	wrdreg s5  }
0xba: {  	[dreg:$0x5] =	wrdreg s6  }
0xbb: {  	[dreg:$0x6] =	wrdreg s17  }
0xbc: {  	[dreg:$0x7] =	wrdreg s18  }
0xbd: {  	[dreg:$0x8] =	wrdreg $0x9  }
0xbe: {  	_ =	task.clear_ibuf [dreg:s12], $0x9FFFF;
	_ =	strace $0x90000046  }
0xbf: {  	s29 =	simm.s32 $0x9;
	_ =	strace $0x80000048  }
0xc0: {  	_ =	swait.ge [sflag:s29], $0x1  }
0xc1: {  	[sflag:s29] =	ssyncadd.s32 $0xFFFFFFFF  }
0xc2: {  	_ =	strace $0x90000048  }
0xc3: {  	_ =	sfence  }
0xc4: {  	s30 =	sld [smem:$0x0];
	_ =	sdelay $0x2  }
0xc5: {  	s31 =	sshll.u32 s1, $0xD;
	s1 =	sshrl.u32 s1, $0x2  }
0xc6: {  	s3 =	sand.u32 $0x4000, s31;
	s1 =	sadd.s32 s1, s30  }
0xc7: {  	s0 =	sor.u32 s3, s0;
	s1 =	sshll.u32 s1, $0x11  }
0xc8: {  	s0 =	sor.u32 s1, s0  }
0xc9: {  	s0 =	sadd.s32 $0x8F2B, s0  }
0xca: {  	[sflag:s0] =	ssyncadd.remote.s32 $0x1  }
0xcb: {  	_ =	sfence.sel $0xFFFF  }
0xcc: {  	[dreg:$0x0] =	wrdreg $0xFFFFFFFF;
	(pc) =	sbr.abs _section_cstart, $3  }
0xcd: {  	[dreg:$0x1] =	wrdreg $0xFFFFFFFF  }
0xce: {  	_ =	task.clear_ibuf [dreg:s12], $0x2FFFF;
	_ =	strace $0x9FFFFFFF  }
0xcf: {  	(tm) =	ssettm $0x7FFFFFFF  }
tec
execute0_lowered:
.L_overlay_start_1:
0x0: {  	(tag) =	ssettag $0x1  }
0x1: {  	s0 =	rddreg [dreg:$0x0]  }
0x2: {  	s1 =	rddreg [dreg:$0x1]  }
0x3: {  	s6 =	rddreg [dreg:$0x2]  }
0x4: {  	s3 =	rddreg [dreg:$0x3];
	s2 =	srdreg.scid  }
0x5: {  	s4 =	rddreg [dreg:$0x4];
	s8 =	stileid.u32  }
0x6: {  	s7 =	rddreg [dreg:$0x5];
	s30 =	simm.s32 $0x1;
	s18 =	simm.s32 $0x8400  }
0x7: {  	s17 =	simm.s32 $0xC400;
	s31 =	simm.s32 $0x2;
	s28 =	simm.s32 $0x4  }
0x8: {  	s19 =	simm.s32 $0x9;
	p0 =	por $0x0, $0x0;
	s5 =	sand.u32 $0x1, s2  }
0x9: {  	s8 =	sshll.u32 s8, $0xA;
	s2 =	simm.s32 $0x0;
	s9 =	sshll.u32 s5, $0x9  }
0xa: {  	[smem:$0x7FF] =	sst s2;
	s12 =	ssub.s32 $0x2, s5;
	s8 =	sor.u32 s9, s8  }
0xb: {  	s5 =	simm.s32 $0x400;
	_ =	strace $0x80000047;
	s9 =	sshrl.u32 s8, $0x3  }
0xc: {  	s14 =	sshrl.u32 s12, $0x1;
	s21 =	sshll.u32 s8, $0x4;
	s0 =	sadd.s32 s0, s9  }
0xd: {  	s20 =	sadd.s32 s1, s9;
	s22 =	sadd.s32 s4, s21;
	s8 =	sor.u32 $0x800, s21  }
0xe: {  	s24 =	sor.u32 $0x1000, s21;
	s10 =	sor.u32 $0x1800, s21;
	[dreg:$0x7] =	wrdreg s0  }
0xf: {  	s1 =	ssub.s32 s12, s14;
	s14 =	simm.s32 $0xC;
	[dreg:$0x8] =	wrdreg s20  }
0x10: {  	s12 =	simm.s32 $0xD;
	[dreg:$0x9] =	wrdreg s22;
	s23 =	sadd.s32 s4, s8  }
0x11: {  	s9 =	simm.s32 $0xF;
	s25 =	sadd.s32 s4, s24;
	[dreg:$0xa] =	wrdreg s23  }
0x12: {  	s26 =	sadd.s32 s4, s10;
	s4 =	sadd.s32 s7, s21;
	[dreg:$0xb] =	wrdreg s25  }
0x13: {  	s11 =	sadd.s32 s7, s8;
	s13 =	sadd.s32 s7, s24;
	[dreg:$0xc] =	wrdreg s26  }
0x14: {  	s15 =	sadd.s32 s7, s10;
	s16 =	smax.u32 s1, $0x1;
	[dreg:$0xd] =	wrdreg s4  }
0x15: {  	s21 =	simm.s32 $0x80;
	s22 =	simm.s32 $0x100;
	[dreg:$0xe] =	wrdreg s11  }
0x16: {  	s20 =	simm.s32 $0x4400;
	s24 =	simm.s32 $0x280;
	[dreg:$0xf] =	wrdreg s13  }
0x17: {  	s8 =	simm.s32 $0x3;
	s10 =	simm.s32 $0xE;
	[dreg:$0x10] =	wrdreg s15  }
0x18: {  	s7 =	simm.s32 $0x10;
	s25 =	simm.s32 $0x200;
	[dreg:$0x11] =	wrdreg s22  }
0x19: {  	s23 =	simm.s32 $0x180;
	s15 =	simm.s32 $0x10400;
	p1 =	sne.s32 s16, $0x1  }
.Ltmp0:
0x1a: {  	[dreg:$0x13] =	wrdreg s24;
	s13 =	simm.s32 $0x14400;
	(pc) =	sbr.rel @!p1 .LBB2_1-.Ltmp0, $4  }
0x1b: {  	s26 =	simm.s32 $0x300;
	s11 =	simm.s32 $0x18400;
	s4 =	simm.s32 $0xA  }
0x1c: {  	s24 =	simm.s32 $0x6;
	s22 =	simm.s32 $0x8;
	s0 =	rddreg [dreg:$0x7]  }
0x1d: {  	s29 =	sadd.s32 $0xFFFFFFFF, s16;
	s16 =	simm.s32 $0xB;
	[dreg:$0x12] =	wrdreg s23  }
0x1e: {  	[dreg:$0x14] =	wrdreg s26;
	s26 =	simm.s32 $0x5;
	s23 =	simm.s32 $0x7  }
0x1f: {  	[tilespmem:s2], [sflag:$0x1] =	stream.linear.gather [hbm4b:s0+s2], $0x200, $0x38;
	[tilespmem:$0x1C400] =	vst v63  }
0x20: {  	s1 =	rddreg [dreg:$0x8]  }
0x21: {  	[tilespmem:s25], [sflag:$0x2] =	stream.linear.gather [hbm4b:s1+s2], $0x200, $0x38;
	[tilespmem:$0x1C400] =	vst v63  }
0x22: {  	_ =	swait.ge [sflag:s30], $0x200  }
0x23: {  	[sflag:s30] =	ssyncset.done $0x0  }
0x24: {  	[sflag:s30] =	ssyncadd.s32 $0xFFFFFE00  }
0x25: {  	[tilespmem:s5], [sflag:$0x3] =	stream.indirect.gather [hbm4b:s6+s21], $0x80, s2, s21, $0xb8;
	[tilespmem:$0x1C400] =	vst v63  }
0x26: {  	_ = 	snop  }
0x27: {  	[tilespmem:s20], [sflag:$0x4] =	stream.indirect.gather [hbm4b:s6+s21], $0x80, s21, s21, $0xb8;
	[tilespmem:$0x1C400] =	vst v63  }
0x28: {  	s0 =	rddreg [dreg:$0x11]  }
0x29: {  	[tilespmem:s18], [sflag:$0x5] =	stream.indirect.gather [hbm4b:s6+s21], $0x80, s0, s21, $0xb8;
	[tilespmem:$0x1C400] =	vst v63  }
0x2a: {  	s1 =	rddreg [dreg:$0x12]  }
0x2b: {  	[tilespmem:s17], [sflag:$0x6] =	stream.indirect.gather [hbm4b:s6+s21], $0x80, s1, s21, $0xb8;
	[tilespmem:$0x1C400] =	vst v63  }
0x2c: {  	_ =	swait.ge [sflag:s31], $0x200  }
0x2d: {  	[sflag:s31] =	ssyncset.done $0x0  }
0x2e: {  	[sflag:s31] =	ssyncadd.s32 $0xFFFFFE00  }
0x2f: {  	[tilespmem:s15], [sflag:$0x7] =	stream.indirect.gather [hbm4b:s3+s21], $0x80, s25, s21, $0xb8;
	[tilespmem:$0x1C400] =	vst v63  }
0x30: {  	s0 =	rddreg [dreg:$0x13]  }
0x31: {  	[tilespmem:s13], [sflag:$0x8] =	stream.indirect.gather [hbm4b:s3+s21], $0x80, s0, s21, $0xb8;
	[tilespmem:$0x1C400] =	vst v63  }
0x32: {  	s1 =	rddreg [dreg:$0x14]  }
0x33: {  	[tilespmem:s11], [sflag:$0x9] =	stream.indirect.gather [hbm4b:s3+s21], $0x80, s1, s21, $0xb8;
	[tilespmem:$0x1C400] =	vst v63  }
0x34: {  	_ =	swait.ge [sflag:s8], $0x4000  }
0x35: {  	[sflag:s8] =	ssyncset.done $0x0  }
0x36: {  	s1 =	rddreg [dreg:$0x9];
	[sflag:s8] =	ssyncadd.s32 $0xFFFFC000  }
0x37: {  	[hbm4b:s1+s2] =	stream.linear.scatter [tilespmem:s5], [sflag:$0xA], $0x4000, $0x38;
	[tilespmem:$0x1C400] =	vst v63  }
0x38: {  	_ =	swait.ge [sflag:s4], $0x4000  }
0x39: {  	[sflag:s4] =	ssyncset.done $0x0  }
0x3a: {  	s1 =	simm.s32 $0x380;
	[sflag:s4] =	ssyncadd.s32 $0xFFFFC000  }
0x3b: {  	[tilespmem:s5], [sflag:$0x3] =	stream.indirect.gather [hbm4b:s3+s21], $0x80, s1, s21, $0xb8;
	[tilespmem:$0x1C400] =	vst v63  }
0x3c: {  	_ =	swait.ge [sflag:s28], $0x4000  }
0x3d: {  	[sflag:s28] =	ssyncset.done $0x0  }
0x3e: {  	s1 =	rddreg [dreg:$0xa];
	[sflag:s28] =	ssyncadd.s32 $0xFFFFC000  }
0x3f: {  	[hbm4b:s1+s2] =	stream.linear.scatter [tilespmem:s20], [sflag:$0xB], $0x4000, $0x38;
	[tilespmem:$0x1C400] =	vst v63  }
0x40: {  	_ =	swait.ge [sflag:s26], $0x4000  }
0x41: {  	[sflag:s26] =	ssyncset.done $0x0  }
0x42: {  	s1 =	rddreg [dreg:$0xb];
	[sflag:s26] =	ssyncadd.s32 $0xFFFFC000  }
0x43: {  	[hbm4b:s1+s2] =	stream.linear.scatter [tilespmem:s18], [sflag:$0xC], $0x4000, $0x38;
	[tilespmem:$0x1C400] =	vst v63  }
0x44: {  	_ =	swait.ge [sflag:s24], $0x4000  }
0x45: {  	[sflag:s24] =	ssyncset.done $0x0  }
0x46: {  	s1 =	rddreg [dreg:$0xc];
	[sflag:s24] =	ssyncadd.s32 $0xFFFFC000  }
0x47: {  	[hbm4b:s1+s2] =	stream.linear.scatter [tilespmem:s17], [sflag:$0xD], $0x4000, $0x38;
	[tilespmem:$0x1C400] =	vst v63  }
0x48: {  	_ =	swait.ge [sflag:s23], $0x4000  }
0x49: {  	[sflag:s23] =	ssyncset.done $0x0  }
0x4a: {  	s1 =	rddreg [dreg:$0xd];
	[sflag:s23] =	ssyncadd.s32 $0xFFFFC000  }
0x4b: {  	[hbm4b:s1+s2] =	stream.linear.scatter [tilespmem:s15], [sflag:$0xE], $0x4000, $0x38;
	[tilespmem:$0x1C400] =	vst v63  }
0x4c: {  	_ =	swait.ge [sflag:s22], $0x4000  }
0x4d: {  	[sflag:s22] =	ssyncset.done $0x0  }
0x4e: {  	s1 =	rddreg [dreg:$0xe];
	[sflag:s22] =	ssyncadd.s32 $0xFFFFC000  }
0x4f: {  	[hbm4b:s1+s2] =	stream.linear.scatter [tilespmem:s13], [sflag:$0xF], $0x4000, $0x38;
	[tilespmem:$0x1C400] =	vst v63  }
0x50: {  	_ =	swait.ge [sflag:s19], $0x4000  }
0x51: {  	[sflag:s19] =	ssyncset.done $0x0  }
0x52: {  	s1 =	rddreg [dreg:$0xf];
	[sflag:s19] =	ssyncadd.s32 $0xFFFFC000  }
0x53: {  	[hbm4b:s1+s2] =	stream.linear.scatter [tilespmem:s11], [sflag:$0x10], $0x4000, $0x38;
	[tilespmem:$0x1C400] =	vst v63  }
0x54: {  	_ =	swait.ge [sflag:s8], $0x4000  }
0x55: {  	[sflag:s8] =	ssyncset.done $0x0  }
0x56: {  	s1 =	rddreg [dreg:$0x10];
	[sflag:s8] =	ssyncadd.s32 $0xFFFFC000  }
0x57: {  	[hbm4b:s1+s2] =	stream.linear.scatter [tilespmem:s5], [sflag:$0xA], $0x4000, $0x38;
	[tilespmem:$0x1C400] =	vst v63  }
0x58: {  	_ =	swait.ge [sflag:s16], $0x4000  }
0x59: {  	[sflag:s16] =	ssyncset.done $0x0  }
0x5a: {  	[sflag:s16] =	ssyncadd.s32 $0xFFFFC000  }
0x5b: {  	_ =	swait.ge [sflag:s14], $0x4000  }
0x5c: {  	[sflag:s14] =	ssyncset.done $0x0  }
0x5d: {  	[sflag:s14] =	ssyncadd.s32 $0xFFFFC000  }
0x5e: {  	_ =	swait.ge [sflag:s12], $0x4000  }
0x5f: {  	[sflag:s12] =	ssyncset.done $0x0  }
0x60: {  	[sflag:s12] =	ssyncadd.s32 $0xFFFFC000  }
0x61: {  	_ =	swait.ge [sflag:s10], $0x4000  }
0x62: {  	[sflag:s10] =	ssyncset.done $0x0  }
0x63: {  	[sflag:s10] =	ssyncadd.s32 $0xFFFFC000  }
0x64: {  	_ =	swait.ge [sflag:s9], $0x4000  }
0x65: {  	[sflag:s9] =	ssyncset.done $0x0  }
0x66: {  	p1 =	sne.s32 s29, $0x1;
	[sflag:s9] =	ssyncadd.s32 $0xFFFFC000  }
.Ltmp1:
0x67: {  	_ =	swait.ge [sflag:s7], $0x4000;
	(pc) =	sbr.rel @!p1 .LBB2_3-.Ltmp1, $4  }
0x68: {  	[sflag:s7] =	ssyncset.done $0x0  }
0x69: {  	[sflag:s7] =	ssyncadd.s32 $0xFFFFC000  }
0x6a: {  	p0 =	por $0x1, $0x1;
	_ =	swait.ge [sflag:s4], $0x4000  }
0x6b: {  	s1 =	sadd.s32 $0xFFFFFFFF, s29;
	s0 =	rddreg [dreg:$0x7];
	[sflag:s4] =	ssyncset.done $0x0  }
.LBB2_4:
0x6c: {  	[sflag:s4] =	ssyncadd.s32 $0xFFFFC000  }
0x6d: {  	[tilespmem:s2], [sflag:$0x1] =	stream.linear.gather [hbm4b:s0+s2], $0x200, $0x38;
	[tilespmem:$0x1C400] =	vst v63  }
0x6e: {  	s29 =	rddreg [dreg:$0x8]  }
0x6f: {  	[tilespmem:s25], [sflag:$0x2] =	stream.linear.gather [hbm4b:s29+s2], $0x200, $0x38;
	[tilespmem:$0x1C400] =	vst v63  }
0x70: {  	_ =	swait.ge [sflag:s30], $0x200  }
0x71: {  	[sflag:s30] =	ssyncset.done $0x0  }
0x72: {  	[sflag:s30] =	ssyncadd.s32 $0xFFFFFE00  }
0x73: {  	[tilespmem:s5], [sflag:$0x3] =	stream.indirect.gather [hbm4b:s6+s21], $0x80, s2, s21, $0xb8;
	[tilespmem:$0x1C400] =	vst v63  }
0x74: {  	_ = 	snop  }
0x75: {  	[tilespmem:s20], [sflag:$0x4] =	stream.indirect.gather [hbm4b:s6+s21], $0x80, s21, s21, $0xb8;
	[tilespmem:$0x1C400] =	vst v63  }
0x76: {  	s0 =	rddreg [dreg:$0x11]  }
0x77: {  	[tilespmem:s18], [sflag:$0x5] =	stream.indirect.gather [hbm4b:s6+s21], $0x80, s0, s21, $0xb8;
	[tilespmem:$0x1C400] =	vst v63  }
0x78: {  	s29 =	rddreg [dreg:$0x12]  }
0x79: {  	[tilespmem:s17], [sflag:$0x6] =	stream.indirect.gather [hbm4b:s6+s21], $0x80, s29, s21, $0xb8;
	[tilespmem:$0x1C400] =	vst v63  }
0x7a: {  	_ =	swait.ge [sflag:s31], $0x200  }
0x7b: {  	[sflag:s31] =	ssyncset.done $0x0  }
0x7c: {  	[sflag:s31] =	ssyncadd.s32 $0xFFFFFE00  }
0x7d: {  	[tilespmem:s15], [sflag:$0x7] =	stream.indirect.gather [hbm4b:s3+s21], $0x80, s25, s21, $0xb8;
	[tilespmem:$0x1C400] =	vst v63  }
0x7e: {  	s0 =	rddreg [dreg:$0x13]  }
0x7f: {  	[tilespmem:s13], [sflag:$0x8] =	stream.indirect.gather [hbm4b:s3+s21], $0x80, s0, s21, $0xb8;
	[tilespmem:$0x1C400] =	vst v63  }
0x80: {  	s29 =	rddreg [dreg:$0x14]  }
0x81: {  	[tilespmem:s11], [sflag:$0x9] =	stream.indirect.gather [hbm4b:s3+s21], $0x80, s29, s21, $0xb8;
	[tilespmem:$0x1C400] =	vst v63  }
0x82: {  	_ =	swait.ge [sflag:s8], $0x4000  }
0x83: {  	[sflag:s8] =	ssyncset.done $0x0  }
0x84: {  	s29 =	rddreg [dreg:$0x9];
	[sflag:s8] =	ssyncadd.s32 $0xFFFFC000  }
0x85: {  	[hbm4b:s29+s2] =	stream.linear.scatter [tilespmem:s5], [sflag:$0xA], $0x4000, $0x38;
	[tilespmem:$0x1C400] =	vst v63  }
0x86: {  	_ =	swait.ge [sflag:s4], $0x4000  }
0x87: {  	[sflag:s4] =	ssyncset.done $0x0  }
0x88: {  	s29 =	simm.s32 $0x380;
	[sflag:s4] =	ssyncadd.s32 $0xFFFFC000  }
0x89: {  	[tilespmem:s5], [sflag:$0x3] =	stream.indirect.gather [hbm4b:s3+s21], $0x80, s29, s21, $0xb8;
	[tilespmem:$0x1C400] =	vst v63  }
0x8a: {  	_ =	swait.ge [sflag:s28], $0x4000  }
0x8b: {  	[sflag:s28] =	ssyncset.done $0x0  }
0x8c: {  	s29 =	rddreg [dreg:$0xa];
	[sflag:s28] =	ssyncadd.s32 $0xFFFFC000  }
0x8d: {  	[hbm4b:s29+s2] =	stream.linear.scatter [tilespmem:s20], [sflag:$0xB], $0x4000, $0x38;
	[tilespmem:$0x1C400] =	vst v63  }
0x8e: {  	_ =	swait.ge [sflag:s26], $0x4000  }
0x8f: {  	[sflag:s26] =	ssyncset.done $0x0  }
0x90: {  	s29 =	rddreg [dreg:$0xb];
	[sflag:s26] =	ssyncadd.s32 $0xFFFFC000  }
0x91: {  	[hbm4b:s29+s2] =	stream.linear.scatter [tilespmem:s18], [sflag:$0xC], $0x4000, $0x38;
	[tilespmem:$0x1C400] =	vst v63  }
0x92: {  	_ =	swait.ge [sflag:s24], $0x4000  }
0x93: {  	[sflag:s24] =	ssyncset.done $0x0  }
0x94: {  	s29 =	rddreg [dreg:$0xc];
	[sflag:s24] =	ssyncadd.s32 $0xFFFFC000  }
0x95: {  	[hbm4b:s29+s2] =	stream.linear.scatter [tilespmem:s17], [sflag:$0xD], $0x4000, $0x38;
	[tilespmem:$0x1C400] =	vst v63  }
0x96: {  	_ =	swait.ge [sflag:s23], $0x4000  }
0x97: {  	[sflag:s23] =	ssyncset.done $0x0  }
0x98: {  	s29 =	rddreg [dreg:$0xd];
	[sflag:s23] =	ssyncadd.s32 $0xFFFFC000  }
0x99: {  	[hbm4b:s29+s2] =	stream.linear.scatter [tilespmem:s15], [sflag:$0xE], $0x4000, $0x38;
	[tilespmem:$0x1C400] =	vst v63  }
0x9a: {  	_ =	swait.ge [sflag:s22], $0x4000  }
0x9b: {  	[sflag:s22] =	ssyncset.done $0x0  }
0x9c: {  	s29 =	rddreg [dreg:$0xe];
	[sflag:s22] =	ssyncadd.s32 $0xFFFFC000  }
0x9d: {  	[hbm4b:s29+s2] =	stream.linear.scatter [tilespmem:s13], [sflag:$0xF], $0x4000, $0x38;
	[tilespmem:$0x1C400] =	vst v63  }
0x9e: {  	_ =	swait.ge [sflag:s19], $0x4000  }
0x9f: {  	[sflag:s19] =	ssyncset.done $0x0  }
0xa0: {  	s29 =	rddreg [dreg:$0xf];
	[sflag:s19] =	ssyncadd.s32 $0xFFFFC000  }
0xa1: {  	[hbm4b:s29+s2] =	stream.linear.scatter [tilespmem:s11], [sflag:$0x10], $0x4000, $0x38;
	[tilespmem:$0x1C400] =	vst v63  }
0xa2: {  	_ =	swait.ge [sflag:s8], $0x4000  }
0xa3: {  	[sflag:s8] =	ssyncset.done $0x0  }
0xa4: {  	s29 =	rddreg [dreg:$0x10];
	[sflag:s8] =	ssyncadd.s32 $0xFFFFC000  }
0xa5: {  	[hbm4b:s29+s2] =	stream.linear.scatter [tilespmem:s5], [sflag:$0xA], $0x4000, $0x38;
	[tilespmem:$0x1C400] =	vst v63  }
0xa6: {  	_ =	swait.ge [sflag:s16], $0x4000  }
0xa7: {  	[sflag:s16] =	ssyncset.done $0x0  }
0xa8: {  	[sflag:s16] =	ssyncadd.s32 $0xFFFFC000  }
0xa9: {  	_ =	swait.ge [sflag:s14], $0x4000  }
0xaa: {  	[sflag:s14] =	ssyncset.done $0x0  }
0xab: {  	[sflag:s14] =	ssyncadd.s32 $0xFFFFC000  }
0xac: {  	_ =	swait.ge [sflag:s12], $0x4000  }
0xad: {  	[sflag:s12] =	ssyncset.done $0x0  }
0xae: {  	[sflag:s12] =	ssyncadd.s32 $0xFFFFC000  }
0xaf: {  	_ =	swait.ge [sflag:s10], $0x4000  }
0xb0: {  	[sflag:s10] =	ssyncset.done $0x0  }
0xb1: {  	[sflag:s10] =	ssyncadd.s32 $0xFFFFC000  }
0xb2: {  	_ =	swait.ge [sflag:s9], $0x4000  }
0xb3: {  	[sflag:s9] =	ssyncset.done $0x0  }
0xb4: {  	p1 =	sne.s32 s1, $0x1;
	[sflag:s9] =	ssyncadd.s32 $0xFFFFC000  }
.Ltmp2:
0xb5: {  	_ =	swait.ge [sflag:s7], $0x4000;
	(pc) =	sbr.rel @p1 .LBB2_4-.Ltmp2, $4  }
0xb6: {  	[sflag:s7] =	ssyncset.done $0x0  }
0xb7: {  	[sflag:s7] =	ssyncadd.s32 $0xFFFFC000  }
0xb8: {  	_ =	swait.ge [sflag:s4], $0x4000  }
0xb9: {  	s1 =	sadd.s32 $0xFFFFFFFF, s1;
	s0 =	rddreg [dreg:$0x7];
	[sflag:s4] =	ssyncset.done $0x0  }
0xba: {  	s29 =	simm.s32 $0x380  }
.LBB2_6:
0xbb: {  	[sflag:s4] =	ssyncadd.s32 @p0 $0xFFFFC000  }
0xbc: {  	[tilespmem:s2], [sflag:$0x1] =	stream.linear.gather [hbm4b:s0+s2], $0x200, $0x38;
	[tilespmem:$0x1C400] =	vst v63  }
0xbd: {  	s1 =	rddreg [dreg:$0x8]  }
0xbe: {  	[tilespmem:s25], [sflag:$0x2] =	stream.linear.gather [hbm4b:s1+s2], $0x200, $0x38;
	[tilespmem:$0x1C400] =	vst v63  }
0xbf: {  	_ =	swait.ge [sflag:s30], $0x200  }
0xc0: {  	[sflag:s30] =	ssyncset.done $0x0  }
0xc1: {  	[sflag:s30] =	ssyncadd.s32 $0xFFFFFE00  }
0xc2: {  	[tilespmem:s5], [sflag:$0x3] =	stream.indirect.gather [hbm4b:s6+s21], $0x80, s2, s21, $0xb8;
	[tilespmem:$0x1C400] =	vst v63  }
0xc3: {  	_ = 	snop  }
0xc4: {  	[tilespmem:s20], [sflag:$0x4] =	stream.indirect.gather [hbm4b:s6+s21], $0x80, s21, s21, $0xb8;
	[tilespmem:$0x1C400] =	vst v63  }
0xc5: {  	s1 =	rddreg [dreg:$0x11]  }
0xc6: {  	[tilespmem:s18], [sflag:$0x5] =	stream.indirect.gather [hbm4b:s6+s21], $0x80, s1, s21, $0xb8;
	[tilespmem:$0x1C400] =	vst v63  }
0xc7: {  	s30 =	rddreg [dreg:$0x12]  }
0xc8: {  	[tilespmem:s17], [sflag:$0x6] =	stream.indirect.gather [hbm4b:s6+s21], $0x80, s30, s21, $0xb8;
	[tilespmem:$0x1C400] =	vst v63  }
0xc9: {  	_ =	swait.ge [sflag:s31], $0x200  }
0xca: {  	[sflag:s31] =	ssyncset.done $0x0  }
0xcb: {  	[sflag:s31] =	ssyncadd.s32 $0xFFFFFE00  }
0xcc: {  	[tilespmem:s15], [sflag:$0x7] =	stream.indirect.gather [hbm4b:s3+s21], $0x80, s25, s21, $0xb8;
	[tilespmem:$0x1C400] =	vst v63  }
0xcd: {  	s30 =	rddreg [dreg:$0x13]  }
0xce: {  	[tilespmem:s13], [sflag:$0x8] =	stream.indirect.gather [hbm4b:s3+s21], $0x80, s30, s21, $0xb8;
	[tilespmem:$0x1C400] =	vst v63  }
0xcf: {  	s31 =	rddreg [dreg:$0x14]  }
0xd0: {  	[tilespmem:s11], [sflag:$0x9] =	stream.indirect.gather [hbm4b:s3+s21], $0x80, s31, s21, $0xb8;
	[tilespmem:$0x1C400] =	vst v63  }
0xd1: {  	_ =	swait.ge [sflag:s8], $0x4000  }
0xd2: {  	[sflag:s8] =	ssyncset.done $0x0  }
0xd3: {  	s1 =	rddreg [dreg:$0x9];
	[sflag:s8] =	ssyncadd.s32 $0xFFFFC000  }
0xd4: {  	[hbm4b:s1+s2] =	stream.linear.scatter [tilespmem:s5], [sflag:$0xA], $0x4000, $0x38;
	[tilespmem:$0x1C400] =	vst v63  }
0xd5: {  	_ =	swait.ge [sflag:s4], $0x4000  }
0xd6: {  	[sflag:s4] =	ssyncset.done $0x0  }
0xd7: {  	[sflag:s4] =	ssyncadd.s32 $0xFFFFC000  }
0xd8: {  	[tilespmem:s5], [sflag:$0x3] =	stream.indirect.gather [hbm4b:s3+s21], $0x80, s29, s21, $0xb8;
	[tilespmem:$0x1C400] =	vst v63  }
0xd9: {  	_ =	swait.ge [sflag:s28], $0x4000  }
0xda: {  	[sflag:s28] =	ssyncset.done $0x0  }
0xdb: {  	s6 =	rddreg [dreg:$0xa];
	[sflag:s28] =	ssyncadd.s32 $0xFFFFC000  }
0xdc: {  	[hbm4b:s6+s2] =	stream.linear.scatter [tilespmem:s20], [sflag:$0xB], $0x4000, $0x38;
	[tilespmem:$0x1C400] =	vst v63  }
0xdd: {  	_ =	swait.ge [sflag:s26], $0x4000  }
0xde: {  	[sflag:s26] =	ssyncset.done $0x0  }
0xdf: {  	s21 =	rddreg [dreg:$0xb];
	[sflag:s26] =	ssyncadd.s32 $0xFFFFC000  }
0xe0: {  	[hbm4b:s21+s2] =	stream.linear.scatter [tilespmem:s18], [sflag:$0xC], $0x4000, $0x38;
	[tilespmem:$0x1C400] =	vst v63  }
0xe1: {  	_ =	swait.ge [sflag:s24], $0x4000  }
0xe2: {  	[sflag:s24] =	ssyncset.done $0x0  }
0xe3: {  	s25 =	rddreg [dreg:$0xc];
	[sflag:s24] =	ssyncadd.s32 $0xFFFFC000  }
0xe4: {  	[hbm4b:s25+s2] =	stream.linear.scatter [tilespmem:s17], [sflag:$0xD], $0x4000, $0x38;
	[tilespmem:$0x1C400] =	vst v63  }
0xe5: {  	_ =	swait.ge [sflag:s23], $0x4000  }
0xe6: {  	[sflag:s23] =	ssyncset.done $0x0  }
0xe7: {  	s26 =	rddreg [dreg:$0xd];
	[sflag:s23] =	ssyncadd.s32 $0xFFFFC000  }
0xe8: {  	[hbm4b:s26+s2] =	stream.linear.scatter [tilespmem:s15], [sflag:$0xE], $0x4000, $0x38;
	[tilespmem:$0x1C400] =	vst v63  }
0xe9: {  	_ =	swait.ge [sflag:s22], $0x4000  }
0xea: {  	[sflag:s22] =	ssyncset.done $0x0  }
0xeb: {  	s28 =	rddreg [dreg:$0xe];
	[sflag:s22] =	ssyncadd.s32 $0xFFFFC000  }
0xec: {  	[hbm4b:s28+s2] =	stream.linear.scatter [tilespmem:s13], [sflag:$0xF], $0x4000, $0x38;
	[tilespmem:$0x1C400] =	vst v63  }
0xed: {  	_ =	swait.ge [sflag:s19], $0x4000  }
0xee: {  	[sflag:s19] =	ssyncset.done $0x0  }
0xef: {  	s29 =	rddreg [dreg:$0xf];
	[sflag:s19] =	ssyncadd.s32 $0xFFFFC000  }
0xf0: {  	[hbm4b:s29+s2] =	stream.linear.scatter [tilespmem:s11], [sflag:$0x10], $0x4000, $0x38;
	[tilespmem:$0x1C400] =	vst v63  }
0xf1: {  	_ =	swait.ge [sflag:s8], $0x4000  }
0xf2: {  	[sflag:s8] =	ssyncset.done $0x0  }
0xf3: {  	s30 =	rddreg [dreg:$0x10];
	[sflag:s8] =	ssyncadd.s32 $0xFFFFC000  }
0xf4: {  	[hbm4b:s30+s2] =	stream.linear.scatter [tilespmem:s5], [sflag:$0xA], $0x4000, $0x38;
	[tilespmem:$0x1C400] =	vst v63  }
0xf5: {  	_ =	swait.ge [sflag:s16], $0x4000  }
0xf6: {  	[sflag:s16] =	ssyncset.done $0x0  }
0xf7: {  	[sflag:s16] =	ssyncadd.s32 $0xFFFFC000  }
0xf8: {  	_ =	swait.ge [sflag:s14], $0x4000  }
0xf9: {  	[sflag:s14] =	ssyncset.done $0x0  }
0xfa: {  	[sflag:s14] =	ssyncadd.s32 $0xFFFFC000  }
0xfb: {  	_ =	swait.ge [sflag:s12], $0x4000  }
0xfc: {  	[sflag:s12] =	ssyncset.done $0x0  }
0xfd: {  	[sflag:s12] =	ssyncadd.s32 $0xFFFFC000  }
0xfe: {  	_ =	swait.ge [sflag:s10], $0x4000  }
0xff: {  	[sflag:s10] =	ssyncset.done $0x0  }
0x100: {  	[sflag:s10] =	ssyncadd.s32 $0xFFFFC000  }
0x101: {  	_ =	swait.ge [sflag:s9], $0x4000  }
0x102: {  	[sflag:s9] =	ssyncset.done $0x0  }
0x103: {  	[sflag:s9] =	ssyncadd.s32 $0xFFFFC000  }
0x104: {  	_ =	swait.ge [sflag:s7], $0x4000  }
0x105: {  	[sflag:s7] =	ssyncset.done $0x0  }
0x106: {  	[sflag:s7] =	ssyncadd.s32 $0xFFFFC000  }
0x107: {  	_ =	swait.ge [sflag:s4], $0x4000  }
0x108: {  	[sflag:s4] =	ssyncset.done $0x0  }
0x109: {  	[sflag:s4] =	ssyncadd.s32 $0xFFFFC000  }
0x10a: {  	_ =	sfence.sel $0x180000  }
0x10b: {  	[bflag:$0x0] =	sbarrier.arrive $0xFFFF  }
0x10c: {  	_ =	strace $0x90000047  }
0x10d: {  	s31 =	stileid.u32;
	[bflag:$0x2] =	sbarrier.arrive $0xFFFF  }
0x10e: {  	p0 =	sne.s32 s31, $0x0;
	s0 =	rddreg [dreg:$0x6]  }
0x10f: {  	s0 =	sadd.s32 @!p0 $0x100000, s0  }
0x110: {  	[sflag:s0] =	ssyncadd.tile.s32 @!p0 $0x1;
	_ =	shalt  }
.LBB2_1:
.Ltmp3:
0x111: {  	(pc) =	sbr.rel .LBB2_6-.Ltmp3, $2  }
0x112: {  	_ =	sdelay $0x2  }
0x113: {  	s29 =	simm.s32 $0x380  }
.LBB2_3:
.Ltmp4:
0x114: {  	(pc) =	sbr.rel .LBB2_6-.Ltmp4, $2  }
0x115: {  	_ =	sdelay $0x2  }
0x116: {  	s29 =	simm.s32 $0x380  }
.Lfunc_end2:
_tile_overlayer_lowered:
.L_overlay_start_2:
0x117: {  	(tag) =	ssettag $0x2  }
0x118: {  	s0 =	rddreg [dreg:$0x0];
	s2 =	stileid.u32  }
0x119: {  	s1 =	rddreg [dreg:$0x1];
	p0 =	sne.s32 s2, $0x0  }
0x11a: {  	s3 =	rddreg [dreg:$0x2];
	[bflag:$0x3] =	sbarrier.arrive $0xFFFF;
	s2 =	simm.s32 @!p0 $0x1C11  }
0x11b: {  	[timem:s3], [sflag:s2] =	dma.local @!p0 [hbm:s0], s1  }
0x11c: {  	s0 =	simm.s32 @!p0 $0x11  }
0x11d: {  	_ =	swait.ge @!p0 [sflag:s0], s1  }
0x11e: {  	s1 =	ssub.s32 @!p0 $0x0, s1;
	[sflag:s0] =	ssyncset.done @!p0 $0x0  }
0x11f: {  	[sflag:s0] =	ssyncadd.s32 @!p0 s1  }
0x120: {  	[bflag:$0x3] =	sbarrier.arrive $0xFFFF  }
0x121: {  	_ =	shalt  }

</sc_bundles>
